<compile_context>
chip_gen: v7x
topology: tpu7x:2x2x1
jax: 0.10.2.dev20260603
libtpu: 0.0.44.dev20260713+nightly
codegen_flags: <defaults>
</compile_context>

<pallas_src>
import functools

import jax
import jax.numpy as jnp
import numpy as np
from jax import lax
from jax.experimental import pallas as pl
from jax.experimental.pallas import tpu as pltpu
from jax.experimental.pallas import tpu_sc as plsc


def _node_pre_body(x_ref, a_ref, w_ref, o_ref):
    x = x_ref[...]
    o_ref[...] = jnp.dot(x, w_ref[...], preferred_element_type=jnp.float32) * a_ref[...]


def _node_pre(x, attr, w, block):
    n, d = x.shape
    do = w.shape[1]
    return pl.pallas_call(
        _node_pre_body,
        grid=(n // block,),
        in_specs=[
            pl.BlockSpec((block, d), lambda i: (i, 0)),
            pl.BlockSpec((block, 1), lambda i: (i, 0)),
            pl.BlockSpec((d, do), lambda i: (0, 0)),
        ],
        out_specs=pl.BlockSpec((block, do), lambda i: (i, 0)),
        out_shape=jax.ShapeDtypeStruct((n, do), jnp.float32),
    )(x, attr, w)


def _edge_w_body(s_ref, a_ref, w1_ref, w2_ref, o_ref):
    h = jnp.dot(s_ref[...], w1_ref[...], preferred_element_type=jnp.float32)
    h = jax.nn.silu(h)
    w = jnp.dot(h, w2_ref[...], preferred_element_type=jnp.float32)
    o_ref[...] = w * a_ref[...]


def _edge_w(scalars, attr, w1, w2, block):
    e, f0 = scalars.shape
    f1, d = w2.shape
    return pl.pallas_call(
        _edge_w_body,
        grid=(e // block,),
        in_specs=[
            pl.BlockSpec((block, f0), lambda i: (i, 0)),
            pl.BlockSpec((block, 1), lambda i: (i, 0)),
            pl.BlockSpec((f0, f1), lambda i: (0, 0)),
            pl.BlockSpec((f1, d), lambda i: (0, 0)),
        ],
        out_specs=pl.BlockSpec((block, d), lambda i: (i, 0)),
        out_shape=jax.ShapeDtypeStruct((e, d), jnp.float32),
    )(scalars, attr, w1, w2)


def _make_sc_scatter(n, e, d, chunk):
    nc, ns = 2, 16
    nw = nc * ns
    e_per_w = e // nw
    n_chunks = e_per_w // chunk
    zrows = 16
    n_zchunks = pl.cdiv(n, zrows)
    zper_tile = pl.cdiv(n_zchunks, ns)
    mesh = plsc.VectorSubcoreMesh(core_axis_name="c", subcore_axis_name="s",
                                  num_cores=nc, num_subcores=ns)

    @functools.partial(
        pl.kernel,
        mesh=mesh,
        out_type=jax.ShapeDtypeStruct((nc, n, d), jnp.float32),
        scratch_types=[
            pltpu.VMEM((chunk,), jnp.int32),
            pltpu.VMEM((1, chunk), jnp.int32),
            pltpu.VMEM((chunk, d), jnp.float32),
            pltpu.VMEM((chunk, d), jnp.float32),
            pltpu.VMEM((zrows, d), jnp.float32),
            pltpu.VMEM_SHARED((n, d), jnp.float32),
            pltpu.SemaphoreType.DMA,
            pltpu.SemaphoreType.DMA,
        ],
    )
    def sc_kernel(src_hbm, dst_hbm, w_hbm, nf_hbm, out_hbm,
                  sidx_v, didx_v, rows_v, wrow_v, z_v, acc, sem_g, sem_w):
        cid = lax.axis_index("c")
        sid = lax.axis_index("s")
        wid = sid * nc + cid

        zv = jnp.zeros((16,), jnp.float32)

        def zbody(i, _):
            for j in range(d // 16):
                z_v[i, pl.ds(j * 16, 16)] = zv
            return 0

        lax.fori_loop(0, zrows, zbody, 0)

        def zcopy(i, _):
            c = sid + i * ns
            @pl.when(c < n_zchunks)
            def _():
                pltpu.sync_copy(z_v, acc.at[pl.ds(c * zrows, zrows)])
            return 0

        lax.fori_loop(0, zper_tile, zcopy, 0)
        plsc.subcore_barrier()

        def body(k, _):
            base = wid * e_per_w + k * chunk
            pltpu.sync_copy(src_hbm.at[pl.ds(base, chunk)], sidx_v)
            pltpu.sync_copy(dst_hbm.at[pl.ds(base, chunk)], didx_v.at[0])
            cp_w = pltpu.async_copy(w_hbm.at[pl.ds(base, chunk)], wrow_v, sem_w)
            cp_g = pltpu.async_copy(nf_hbm.at[sidx_v], rows_v, sem_g)
            cp_g.wait()
            cp_w.wait()

            def mul_body(t, _):
                for j in range(d // 16):
                    sl = pl.ds(j * 16, 16)
                    rows_v[t, sl] = rows_v[t, sl] * wrow_v[t, sl]
                return 0

            lax.fori_loop(0, chunk, mul_body, 0)
            pltpu.sync_copy(rows_v, acc.at[didx_v.at[0]], add=True)
            return 0

        lax.fori_loop(0, n_chunks, body, 0)

        plsc.subcore_barrier()

        def dcopy(i, _):
            c = sid + i * ns
            @pl.when(c < n_zchunks)
            def _():
                pltpu.sync_copy(acc.at[pl.ds(c * zrows, zrows)],
                                out_hbm.at[cid, pl.ds(c * zrows, zrows)])
            return 0

        lax.fori_loop(0, zper_tile, dcopy, 0)

    return sc_kernel


def _post_body(p0_ref, p1_ref, s_ref, a_ref, w2_ref, w3_ref, o_ref):
    h = p0_ref[...] + p1_ref[...]
    a = a_ref[...]
    conv = jnp.dot(h, w2_ref[...], preferred_element_type=jnp.float32) * a
    ang = jnp.sum(h * w3_ref[...], axis=1, keepdims=True) * a
    o_ref[...] = jnp.cos(ang) * s_ref[...] + jnp.sin(ang) * conv


def _post(p0, p1, node_self, attr, w2, w3, block):
    n, d = p0.shape
    return pl.pallas_call(
        _post_body,
        grid=(n // block,),
        in_specs=[
            pl.BlockSpec((block, d), lambda i: (i, 0)),
            pl.BlockSpec((block, d), lambda i: (i, 0)),
            pl.BlockSpec((block, d), lambda i: (i, 0)),
            pl.BlockSpec((block, 1), lambda i: (i, 0)),
            pl.BlockSpec((d, d), lambda i: (0, 0)),
            pl.BlockSpec((1, d), lambda i: (0, 0)),
        ],
        out_specs=pl.BlockSpec((block, d), lambda i: (i, 0)),
        out_shape=jax.ShapeDtypeStruct((n, d), jnp.float32),
    )(p0, p1, node_self, attr, w2, w3)


NUM_NEIGHBORS = 32.0


def kernel(node_input, node_attr, edge_src, edge_dst, edge_attr, edge_scalars,
           W_sc, W_lin1, W_fc1, W_fc2, W_lin2, W_lin3):
    n, d = node_input.shape
    e = edge_src.shape[0]
    f0, f1 = W_fc1.shape

    wn = jnp.concatenate([W_sc[:, 0, :], W_lin1[:, 0, :]], axis=1) / np.sqrt(d)
    w1 = W_fc1 / np.sqrt(f0)
    w2 = W_fc2 / (np.sqrt(f1) * np.sqrt(NUM_NEIGHBORS))
    wl2 = W_lin2[:, 0, :] / np.sqrt(d)
    wl3 = (0.1 / np.sqrt(d)) * W_lin3[:, 0, :].reshape(1, d)

    pre = _node_pre(node_input, node_attr, wn, block=1000)
    node_self = pre[:, :d]
    node_feat = pre[:, d:]

    ew = _edge_w(edge_scalars, edge_attr, w1, w2, block=3200)

    sc = _make_sc_scatter(n, e, d, chunk=80)
    partial = sc(edge_src.astype(jnp.int32), edge_dst.astype(jnp.int32),
                 ew, node_feat)

    return _post(partial[0], partial[1], node_self, node_attr,
                 wl2, wl3, block=1000)

# --- scband reference (transcript-rebuilt; emitter-appended) ---
"""Pipeline reference for scband-relaxed-convolution-58815282151653 (READ-ONLY COPY).

The authoritative reference and input builder live on the scoring server;
editing this copy changes nothing except your own understanding.
"""

import jax, jax.numpy as jnp
import numpy as np

N = 10000
E = 320000
D = 128
FC0 = 16
FC1 = 64
NUM_NEIGHBORS = 32.0


def fctp(x, attr, W):
    # FullyConnectedTensorProduct for all-scalar (0e) irreps: uvw path with
    # path normalization alpha = 1/sqrt(mul_in1 * mul_in2)
    mul1, mul2, mulo = W.shape
    return jnp.einsum('uvw,nu,nv->nw', W, x, attr) / np.sqrt(mul1 * mul2)


def fc_net(x, W1, W2):
    # e3nn FullyConnectedNet: normalized linear layers, silu on hidden, none on output
    h = jax.nn.silu(x @ W1 / np.sqrt(W1.shape[0]))
    return h @ W2 / np.sqrt(W2.shape[0])


def setup_inputs(seed: int = 0) -> dict:
    key = jax.random.key(seed)
    ks = jax.random.split(key, 12)
    node_input = jax.random.normal(ks[0], (N, D), dtype=jnp.float32)
    node_attr = jnp.ones((N, 1), dtype=jnp.float32)
    edge_src = jax.random.randint(ks[1], (E,), 0, N)
    edge_dst = jax.random.randint(ks[2], (E,), 0, N)
    edge_attr = jax.random.uniform(ks[3], (E, 1), dtype=jnp.float32)
    edge_scalars = jax.random.uniform(ks[4], (E, FC0), dtype=jnp.float32)
    W_sc = jax.random.normal(ks[5], (D, 1, D), dtype=jnp.float32)
    W_lin1 = jax.random.normal(ks[6], (D, 1, D), dtype=jnp.float32)
    W_fc1 = jax.random.normal(ks[7], (FC0, FC1), dtype=jnp.float32)
    W_fc2 = jax.random.normal(ks[8], (FC1, D), dtype=jnp.float32)
    W_lin2 = jax.random.normal(ks[9], (D, 1, D), dtype=jnp.float32)
    W_lin3 = jax.random.normal(ks[10], (D, 1, 1), dtype=jnp.float32)
    return {
        'node_input': node_input, 'node_attr': node_attr,
        'edge_src': edge_src, 'edge_dst': edge_dst,
        'edge_attr': edge_attr, 'edge_scalars': edge_scalars,
        'W_sc': W_sc, 'W_lin1': W_lin1, 'W_fc1': W_fc1, 'W_fc2': W_fc2,
        'W_lin2': W_lin2, 'W_lin3': W_lin3,
    }


def reference(node_input, node_attr, edge_src, edge_dst, edge_attr, edge_scalars,
              W_sc, W_lin1, W_fc1, W_fc2, W_lin2, W_lin3):
    # self connection
    node_self_connection = fctp(node_input, node_attr, W_sc)
    # lin1
    node_features = fctp(node_input, node_attr, W_lin1)
    # radial MLP -> per-edge tensor-product weights (uvu, 128 weights per edge)
    weight = fc_net(edge_scalars, W_fc1, W_fc2)
    # TensorProduct (uvu, shared_weights=False): gather src features, multiply by
    # scalar edge attr and per-edge weights
    edge_features = node_features[edge_src] * edge_attr * weight
    # scatter-add to dst nodes, divide by sqrt(num_neighbors)
    node_features = jax.ops.segment_sum(edge_features, edge_dst, num_segments=node_input.shape[0]) / np.sqrt(NUM_NEIGHBORS)
    node_conv_out = fctp(node_features, node_attr, W_lin2)
    node_angle = 0.1 * fctp(node_features, node_attr, W_lin3)
    cos, sin = jnp.cos(node_angle), jnp.sin(node_angle)
    # sc.output_mask is all ones here (every 0e output channel has a path)
    m = jnp.ones((node_self_connection.shape[-1],), dtype=node_self_connection.dtype)
    sin = 1 - m + sin * m
    return cos * node_self_connection + sin * node_conv_out

if __name__ == "__main__":
    import jax
    _d = setup_inputs()
    print(jax.jit(kernel)(*tuple(_d.values())))

</pallas_src>

<mosaic_0001>
#map = affine_map<(d0, d1) -> (0)>
#map1 = affine_map<(d0, d1) -> (0, 0)>
#map2 = affine_map<(d0, d1) -> (0, 0, 0)>
module attributes {stable_mosaic.version = 14 : i64} {
  func.func @sc_kernel(%arg0: i32, %arg1: i32, %arg2: memref<320000xi32, #tpu.memory_space<hbm>>, %arg3: memref<320000xi32, #tpu.memory_space<hbm>>, %arg4: memref<320000x128xf32, #tpu.memory_space<hbm>>, %arg5: memref<10000x128xf32, #tpu.memory_space<hbm>>, %arg6: memref<2x10000x128xf32, #tpu.memory_space<hbm>>, %arg7: memref<80xi32, #tpu.memory_space<vmem>>, %arg8: memref<1x80xi32, #tpu.memory_space<vmem>>, %arg9: memref<80x128xf32, #tpu.memory_space<vmem>>, %arg10: memref<80x128xf32, #tpu.memory_space<vmem>>, %arg11: memref<16x128xf32, #tpu.memory_space<vmem>>, %arg12: memref<10000x128xf32, #tpu.memory_space<vmem_shared>>, %arg13: memref<!tpu.dma_semaphore, #tpu.memory_space<semaphore_mem>>, %arg14: memref<!tpu.dma_semaphore, #tpu.memory_space<semaphore_mem>>) attributes {dimension_semantics = [#tpu.dimension_semantics<core_parallel>, #tpu.dimension_semantics<subcore_parallel>], iteration_bounds = array<i64: 2, 16>, scalar_prefetch = 0 : i64, scratch_operands = 8 : i64, tpu.core_type = #tpu.core_type<sc_vector_subcore>, window_params = [{transform_indices = #map}, {transform_indices = #map}, {transform_indices = #map1}, {transform_indices = #map1}, {transform_indices = #map2}]} {
    %mul3A = arith.constant 2 : i32
    %mul3A_0 = arith.muli %arg1, %mul3A : i32
    %add3A = arith.addi %mul3A_0, %arg0 : i32
    %broadcast_in_dim3A = arith.constant 0.000000e+00 : f32
    %broadcast_in_dim3A_1 = vector.broadcast %broadcast_in_dim3A : f32 to vector<16xf32>
    %scan3A = arith.constant 0 : i32
    %scan3A_2 = arith.constant 0 : i32
    %scan3A_3 = arith.constant 16 : i32
    %scan3A_4 = arith.addi %scan3A_2, %scan3A_3 : i32
    %scan3A_5 = arith.constant 1 : i32
    %scan3A_6 = scf.for %scan3A_30 = %scan3A_2 to %scan3A_4 step %scan3A_5 iter_args(%scan3A_31 = %scan3A) -> (i32)  : i32 {
      %swap3A = arith.index_cast %scan3A_30 : i32 to index
      %swap3A_32 = arith.constant 0 : index
      %swap3A_33 = tpu.vector_load %arg11[%swap3A, %swap3A_32] {strides = array<i32>} : memref<16x128xf32, #tpu.memory_space<vmem>>, vector<1x16xf32>,
      %swap3A_34 = vector.shape_cast %swap3A_33 : vector<1x16xf32> to vector<16xf32>
      %swap3A_35 = vector.shape_cast %broadcast_in_dim3A_1 : vector<16xf32> to vector<1x16xf32>
      tpu.vector_store %arg11[%swap3A, %swap3A_32], %swap3A_35 {strides = array<i32>} : memref<16x128xf32, #tpu.memory_space<vmem>>, vector<1x16xf32>,
      %swap3A_36 = arith.index_cast %scan3A_30 : i32 to index
      %swap3A_37 = arith.constant 16 : index
      %swap3A_38 = tpu.vector_load %arg11[%swap3A_36, %swap3A_37] {strides = array<i32>} : memref<16x128xf32, #tpu.memory_space<vmem>>, vector<1x16xf32>,
      %swap3A_39 = vector.shape_cast %swap3A_38 : vector<1x16xf32> to vector<16xf32>
      %swap3A_40 = vector.shape_cast %broadcast_in_dim3A_1 : vector<16xf32> to vector<1x16xf32>
      tpu.vector_store %arg11[%swap3A_36, %swap3A_37], %swap3A_40 {strides = array<i32>} : memref<16x128xf32, #tpu.memory_space<vmem>>, vector<1x16xf32>,
      %swap3A_41 = arith.index_cast %scan3A_30 : i32 to index
      %swap3A_42 = arith.constant 32 : index
      %swap3A_43 = tpu.vector_load %arg11[%swap3A_41, %swap3A_42] {strides = array<i32>} : memref<16x128xf32, #tpu.memory_space<vmem>>, vector<1x16xf32>,
      %swap3A_44 = vector.shape_cast %swap3A_43 : vector<1x16xf32> to vector<16xf32>
      %swap3A_45 = vector.shape_cast %broadcast_in_dim3A_1 : vector<16xf32> to vector<1x16xf32>
      tpu.vector_store %arg11[%swap3A_41, %swap3A_42], %swap3A_45 {strides = array<i32>} : memref<16x128xf32, #tpu.memory_space<vmem>>, vector<1x16xf32>,
      %swap3A_46 = arith.index_cast %scan3A_30 : i32 to index
      %swap3A_47 = arith.constant 48 : index
      %swap3A_48 = tpu.vector_load %arg11[%swap3A_46, %swap3A_47] {strides = array<i32>} : memref<16x128xf32, #tpu.memory_space<vmem>>, vector<1x16xf32>,
      %swap3A_49 = vector.shape_cast %swap3A_48 : vector<1x16xf32> to vector<16xf32>
      %swap3A_50 = vector.shape_cast %broadcast_in_dim3A_1 : vector<16xf32> to vector<1x16xf32>
      tpu.vector_store %arg11[%swap3A_46, %swap3A_47], %swap3A_50 {strides = array<i32>} : memref<16x128xf32, #tpu.memory_space<vmem>>, vector<1x16xf32>,
      %swap3A_51 = arith.index_cast %scan3A_30 : i32 to index
      %swap3A_52 = arith.constant 64 : index
      %swap3A_53 = tpu.vector_load %arg11[%swap3A_51, %swap3A_52] {strides = array<i32>} : memref<16x128xf32, #tpu.memory_space<vmem>>, vector<1x16xf32>,
      %swap3A_54 = vector.shape_cast %swap3A_53 : vector<1x16xf32> to vector<16xf32>
      %swap3A_55 = vector.shape_cast %broadcast_in_dim3A_1 : vector<16xf32> to vector<1x16xf32>
      tpu.vector_store %arg11[%swap3A_51, %swap3A_52], %swap3A_55 {strides = array<i32>} : memref<16x128xf32, #tpu.memory_space<vmem>>, vector<1x16xf32>,
      %swap3A_56 = arith.index_cast %scan3A_30 : i32 to index
      %swap3A_57 = arith.constant 80 : index
      %swap3A_58 = tpu.vector_load %arg11[%swap3A_56, %swap3A_57] {strides = array<i32>} : memref<16x128xf32, #tpu.memory_space<vmem>>, vector<1x16xf32>,
      %swap3A_59 = vector.shape_cast %swap3A_58 : vector<1x16xf32> to vector<16xf32>
      %swap3A_60 = vector.shape_cast %broadcast_in_dim3A_1 : vector<16xf32> to vector<1x16xf32>
      tpu.vector_store %arg11[%swap3A_56, %swap3A_57], %swap3A_60 {strides = array<i32>} : memref<16x128xf32, #tpu.memory_space<vmem>>, vector<1x16xf32>,
      %swap3A_61 = arith.index_cast %scan3A_30 : i32 to index
      %swap3A_62 = arith.constant 96 : index
      %swap3A_63 = tpu.vector_load %arg11[%swap3A_61, %swap3A_62] {strides = array<i32>} : memref<16x128xf32, #tpu.memory_space<vmem>>, vector<1x16xf32>,
      %swap3A_64 = vector.shape_cast %swap3A_63 : vector<1x16xf32> to vector<16xf32>
      %swap3A_65 = vector.shape_cast %broadcast_in_dim3A_1 : vector<16xf32> to vector<1x16xf32>
      tpu.vector_store %arg11[%swap3A_61, %swap3A_62], %swap3A_65 {strides = array<i32>} : memref<16x128xf32, #tpu.memory_space<vmem>>, vector<1x16xf32>,
      %swap3A_66 = arith.index_cast %scan3A_30 : i32 to index
      %swap3A_67 = arith.constant 112 : index
      %swap3A_68 = tpu.vector_load %arg11[%swap3A_66, %swap3A_67] {strides = array<i32>} : memref<16x128xf32, #tpu.memory_space<vmem>>, vector<1x16xf32>,
      %swap3A_69 = vector.shape_cast %swap3A_68 : vector<1x16xf32> to vector<16xf32>
      %swap3A_70 = vector.shape_cast %broadcast_in_dim3A_1 : vector<16xf32> to vector<1x16xf32>
      tpu.vector_store %arg11[%swap3A_66, %swap3A_67], %swap3A_70 {strides = array<i32>} : memref<16x128xf32, #tpu.memory_space<vmem>>, vector<1x16xf32>,
      %scan3A_71 = arith.constant 0 : i32
      scf.yield %scan3A_71 : i32
    }
    %scan3A_7 = arith.constant 16 : i32
    %scan3A_8 = arith.constant 0 : i32
    %scan3A_9 = arith.constant 0 : i32
    %scan3A_10 = arith.constant 40 : i32
    %scan3A_11 = arith.addi %scan3A_9, %scan3A_10 : i32
    %scan3A_12 = arith.constant 1 : i32
    %scan3A_13 = scf.for %scan3A_30 = %scan3A_9 to %scan3A_11 step %scan3A_12 iter_args(%scan3A_31 = %scan3A_8) -> (i32)  : i32 {
      %mul3A_32 = arith.constant 16 : i32
      %mul3A_33 = arith.muli %scan3A_30, %mul3A_32 : i32
      %add3A_34 = arith.addi %arg1, %mul3A_33 : i32
      %lt3A = arith.constant 625 : i32
      %lt3A_35 = arith.cmpi slt, %add3A_34, %lt3A : i32
      %convert_element_type3A = arith.extui %lt3A_35 : i1 to i32
      %cond3A = arith.constant 0 : i32
      %cond3A_36 = arith.cmpi ne, %convert_element_type3A, %cond3A : i32
      scf.if %cond3A_36 {
        %mul3A_38 = arith.constant 16 : i32
        %mul3A_39 = arith.muli %add3A_34, %mul3A_38 : i32
        "tpu.region"() ({
          %run_scoped3A = tpu.sem_alloc : memref<!tpu.dma_semaphore, #tpu.memory_space<semaphore_mem>>
          %dma_start3A = arith.constant 0 : i32
          %dma_start3A_40 = tpu.memref_slice %arg12[%mul3A_39, %dma_start3A] : memref<10000x128xf32, #tpu.memory_space<vmem_shared>> -> memref<16x128xf32, #tpu.memory_space<vmem_shared>>
          %dma_start3A_41 = arith.constant 0 : i32
          %dma_start3A_42 = tpu.memref_slice %arg12[%mul3A_39, %dma_start3A_41] : memref<10000x128xf32, #tpu.memory_space<vmem_shared>> -> memref<16x128xf32, #tpu.memory_space<vmem_shared>>
          tpu.enqueue_dma source(%arg11 : memref<16x128xf32, #tpu.memory_space<vmem>>) target(%dma_start3A_42 : memref<16x128xf32, #tpu.memory_space<vmem_shared>>) target_semaphore(%run_scoped3A : memref<!tpu.dma_semaphore, #tpu.memory_space<semaphore_mem>>)
          %dma_wait3A = arith.constant 0 : i32
          %dma_wait3A_43 = tpu.memref_slice %arg12[%mul3A_39, %dma_wait3A] : memref<10000x128xf32, #tpu.memory_space<vmem_shared>> -> memref<16x128xf32, #tpu.memory_space<vmem_shared>>
          %dma_wait3A_44 = arith.constant 0 : i32
          %dma_wait3A_45 = tpu.memref_slice %arg12[%mul3A_39, %dma_wait3A_44] : memref<10000x128xf32, #tpu.memory_space<vmem_shared>> -> memref<16x128xf32, #tpu.memory_space<vmem_shared>>
          tpu.wait_dma2 semaphore(%run_scoped3A : memref<!tpu.dma_semaphore, #tpu.memory_space<semaphore_mem>>) src(%arg11 : memref<16x128xf32, #tpu.memory_space<vmem>>) dst(%dma_wait3A_45 : memref<16x128xf32, #tpu.memory_space<vmem_shared>>)
          tpu.yield
        }) : () -> ()
      } else {
      }
      %scan3A_37 = arith.constant 0 : i32
      scf.yield %scan3A_37 : i32
    }
    %scan3A_14 = arith.constant 40 : i32
    %barrier3A = arith.constant 0 : index
    tpu.barrier barrier_id(%barrier3A)
    %scan3A_15 = arith.constant 0 : i32
    %scan3A_16 = arith.constant 0 : i32
    %scan3A_17 = arith.constant 125 : i32
    %scan3A_18 = arith.addi %scan3A_16, %scan3A_17 : i32
    %scan3A_19 = arith.constant 1 : i32
    %scan3A_20 = scf.for %scan3A_30 = %scan3A_16 to %scan3A_18 step %scan3A_19 iter_args(%scan3A_31 = %scan3A_15) -> (i32)  : i32 {
      %mul3A_32 = arith.constant 10000 : i32
      %mul3A_33 = arith.muli %add3A, %mul3A_32 : i32
      %mul3A_34 = arith.constant 80 : i32
      %mul3A_35 = arith.muli %scan3A_30, %mul3A_34 : i32
      %add3A_36 = arith.addi %mul3A_33, %mul3A_35 : i32
      "tpu.region"() ({
        %run_scoped3A_58 = tpu.sem_alloc : memref<!tpu.dma_semaphore, #tpu.memory_space<semaphore_mem>>
        %dma_start3A_59 = tpu.memref_slice %arg2[%add3A_36] : memref<320000xi32, #tpu.memory_space<hbm>> -> memref<80xi32, #tpu.memory_space<hbm>>
        %dma_start3A_60 = tpu.memref_slice %arg2[%add3A_36] : memref<320000xi32, #tpu.memory_space<hbm>> -> memref<80xi32, #tpu.memory_space<hbm>>
        tpu.enqueue_dma source(%dma_start3A_60 : memref<80xi32, #tpu.memory_space<hbm>>) target(%arg7 : memref<80xi32, #tpu.memory_space<vmem>>) target_semaphore(%run_scoped3A_58 : memref<!tpu.dma_semaphore, #tpu.memory_space<semaphore_mem>>)
        %dma_wait3A_61 = tpu.memref_slice %arg2[%add3A_36] : memref<320000xi32, #tpu.memory_space<hbm>> -> memref<80xi32, #tpu.memory_space<hbm>>
        %dma_wait3A_62 = tpu.memref_slice %arg2[%add3A_36] : memref<320000xi32, #tpu.memory_space<hbm>> -> memref<80xi32, #tpu.memory_space<hbm>>
        tpu.wait_dma2 semaphore(%run_scoped3A_58 : memref<!tpu.dma_semaphore, #tpu.memory_space<semaphore_mem>>) src(%dma_wait3A_62 : memref<80xi32, #tpu.memory_space<hbm>>) dst(%arg7 : memref<80xi32, #tpu.memory_space<vmem>>)
        tpu.yield
      }) : () -> ()
      %run_scoped3A = arith.constant 0 : i32
      "tpu.region"() ({
        %run_scoped3A_58 = tpu.sem_alloc : memref<!tpu.dma_semaphore, #tpu.memory_space<semaphore_mem>>
        %dma_start3A_59 = arith.constant 0 : i32
        %dma_start3A_60 = tpu.memref_slice %arg8[%run_scoped3A, %dma_start3A_59] : memref<1x80xi32, #tpu.memory_space<vmem>> -> memref<1x80xi32, #tpu.memory_space<vmem>>
        %dma_start3A_61 = tpu.memref_squeeze %dma_start3A_60 : memref<1x80xi32, #tpu.memory_space<vmem>> -> memref<80xi32, #tpu.memory_space<vmem>>
        %dma_start3A_62 = tpu.memref_slice %arg3[%add3A_36] : memref<320000xi32, #tpu.memory_space<hbm>> -> memref<80xi32, #tpu.memory_space<hbm>>
        %dma_start3A_63 = arith.constant 0 : i32
        %dma_start3A_64 = tpu.memref_slice %arg8[%run_scoped3A, %dma_start3A_63] : memref<1x80xi32, #tpu.memory_space<vmem>> -> memref<1x80xi32, #tpu.memory_space<vmem>>
        %dma_start3A_65 = tpu.memref_squeeze %dma_start3A_64 : memref<1x80xi32, #tpu.memory_space<vmem>> -> memref<80xi32, #tpu.memory_space<vmem>>
        %dma_start3A_66 = tpu.memref_slice %arg3[%add3A_36] : memref<320000xi32, #tpu.memory_space<hbm>> -> memref<80xi32, #tpu.memory_space<hbm>>
        tpu.enqueue_dma source(%dma_start3A_66 : memref<80xi32, #tpu.memory_space<hbm>>) target(%dma_start3A_65 : memref<80xi32, #tpu.memory_space<vmem>>) target_semaphore(%run_scoped3A_58 : memref<!tpu.dma_semaphore, #tpu.memory_space<semaphore_mem>>)
        %dma_wait3A_67 = arith.constant 0 : i32
        %dma_wait3A_68 = tpu.memref_slice %arg8[%run_scoped3A, %dma_wait3A_67] : memref<1x80xi32, #tpu.memory_space<vmem>> -> memref<1x80xi32, #tpu.memory_space<vmem>>
        %dma_wait3A_69 = tpu.memref_squeeze %dma_wait3A_68 : memref<1x80xi32, #tpu.memory_space<vmem>> -> memref<80xi32, #tpu.memory_space<vmem>>
        %dma_wait3A_70 = tpu.memref_slice %arg3[%add3A_36] : memref<320000xi32, #tpu.memory_space<hbm>> -> memref<80xi32, #tpu.memory_space<hbm>>
        %dma_wait3A_71 = arith.constant 0 : i32
        %dma_wait3A_72 = tpu.memref_slice %arg8[%run_scoped3A, %dma_wait3A_71] : memref<1x80xi32, #tpu.memory_space<vmem>> -> memref<1x80xi32, #tpu.memory_space<vmem>>
        %dma_wait3A_73 = tpu.memref_squeeze %dma_wait3A_72 : memref<1x80xi32, #tpu.memory_space<vmem>> -> memref<80xi32, #tpu.memory_space<vmem>>
        %dma_wait3A_74 = tpu.memref_slice %arg3[%add3A_36] : memref<320000xi32, #tpu.memory_space<hbm>> -> memref<80xi32, #tpu.memory_space<hbm>>
        tpu.wait_dma2 semaphore(%run_scoped3A_58 : memref<!tpu.dma_semaphore, #tpu.memory_space<semaphore_mem>>) src(%dma_wait3A_74 : memref<80xi32, #tpu.memory_space<hbm>>) dst(%dma_wait3A_73 : memref<80xi32, #tpu.memory_space<vmem>>)
        tpu.yield
      }) : () -> ()
      %dma_start3A = arith.constant 0 : i32
      %dma_start3A_37 = tpu.memref_slice %arg4[%add3A_36, %dma_start3A] : memref<320000x128xf32, #tpu.memory_space<hbm>> -> memref<80x128xf32, #tpu.memory_space<hbm>>
      %dma_start3A_38 = arith.constant 0 : i32
      %dma_start3A_39 = tpu.memref_slice %arg4[%add3A_36, %dma_start3A_38] : memref<320000x128xf32, #tpu.memory_space<hbm>> -> memref<80x128xf32, #tpu.memory_space<hbm>>
      tpu.enqueue_dma source(%dma_start3A_39 : memref<80x128xf32, #tpu.memory_space<hbm>>) target(%arg10 : memref<80x128xf32, #tpu.memory_space<vmem>>) target_semaphore(%arg14 : memref<!tpu.dma_semaphore, #tpu.memory_space<semaphore_mem>>)
      %dma_start3A_40 = arith.constant 0 : i32
      %dma_start3A_41 = arith.constant 0 : i32
      %dma_start3A_42 = tpu.memref_slice %arg5[%dma_start3A_40, %dma_start3A_41] : memref<10000x128xf32, #tpu.memory_space<hbm>> -> memref<10000x128xf32, #tpu.memory_space<hbm>>
      tpu.enqueue_indirect_dma source(%dma_start3A_42 : memref<10000x128xf32, #tpu.memory_space<hbm>>) target(%arg9 : memref<80x128xf32, #tpu.memory_space<vmem>>) offsets(%arg7 : memref<80xi32, #tpu.memory_space<vmem>>) semaphore(%arg13 : memref<!tpu.dma_semaphore, #tpu.memory_space<semaphore_mem>>)
      %dma_wait3A = arith.constant 0 : i32
      %dma_wait3A_43 = arith.constant 0 : i32
      %dma_wait3A_44 = tpu.memref_slice %arg5[%dma_wait3A, %dma_wait3A_43] : memref<10000x128xf32, #tpu.memory_space<hbm>> -> memref<10000x128xf32, #tpu.memory_space<hbm>>
      tpu.wait_indirect_dma semaphore(%arg13 : memref<!tpu.dma_semaphore, #tpu.memory_space<semaphore_mem>>) src(%dma_wait3A_44 : memref<10000x128xf32, #tpu.memory_space<hbm>>) dst(%arg9 : memref<80x128xf32, #tpu.memory_space<vmem>>)
      %dma_wait3A_45 = arith.constant 0 : i32
      %dma_wait3A_46 = tpu.memref_slice %arg4[%add3A_36, %dma_wait3A_45] : memref<320000x128xf32, #tpu.memory_space<hbm>> -> memref<80x128xf32, #tpu.memory_space<hbm>>
      %dma_wait3A_47 = arith.constant 0 : i32
      %dma_wait3A_48 = tpu.memref_slice %arg4[%add3A_36, %dma_wait3A_47] : memref<320000x128xf32, #tpu.memory_space<hbm>> -> memref<80x128xf32, #tpu.memory_space<hbm>>
      tpu.wait_dma2 semaphore(%arg14 : memref<!tpu.dma_semaphore, #tpu.memory_space<semaphore_mem>>) src(%dma_wait3A_48 : memref<80x128xf32, #tpu.memory_space<hbm>>) dst(%arg10 : memref<80x128xf32, #tpu.memory_space<vmem>>)
      %scan3A_49 = arith.constant 0 : i32
      %scan3A_50 = arith.constant 0 : i32
      %scan3A_51 = arith.constant 80 : i32
      %scan3A_52 = arith.addi %scan3A_50, %scan3A_51 : i32
      %scan3A_53 = arith.constant 1 : i32
      %scan3A_54 = scf.for %scan3A_58 = %scan3A_50 to %scan3A_52 step %scan3A_53 iter_args(%scan3A_59 = %scan3A_49) -> (i32)  : i32 {
        %get3A = arith.index_cast %scan3A_58 : i32 to index
        %get3A_60 = arith.constant 0 : index
        %get3A_61 = tpu.vector_load %arg9[%get3A, %get3A_60] {strides = array<i32>} : memref<80x128xf32, #tpu.memory_space<vmem>>, vector<1x16xf32>,
        %get3A_62 = vector.shape_cast %get3A_61 : vector<1x16xf32> to vector<16xf32>
        %get3A_63 = arith.index_cast %scan3A_58 : i32 to index
        %get3A_64 = arith.constant 0 : index
        %get3A_65 = tpu.vector_load %arg10[%get3A_63, %get3A_64] {strides = array<i32>} : memref<80x128xf32, #tpu.memory_space<vmem>>, vector<1x16xf32>,
        %get3A_66 = vector.shape_cast %get3A_65 : vector<1x16xf32> to vector<16xf32>
        %mul3A_67 = arith.mulf %get3A_62, %get3A_66 : vector<16xf32>
        %swap3A = arith.index_cast %scan3A_58 : i32 to index
        %swap3A_68 = arith.constant 0 : index
        %swap3A_69 = tpu.vector_load %arg9[%swap3A, %swap3A_68] {strides = array<i32>} : memref<80x128xf32, #tpu.memory_space<vmem>>, vector<1x16xf32>,
        %swap3A_70 = vector.shape_cast %swap3A_69 : vector<1x16xf32> to vector<16xf32>
        %swap3A_71 = vector.shape_cast %mul3A_67 : vector<16xf32> to vector<1x16xf32>
        tpu.vector_store %arg9[%swap3A, %swap3A_68], %swap3A_71 {strides = array<i32>} : memref<80x128xf32, #tpu.memory_space<vmem>>, vector<1x16xf32>,
        %get3A_72 = arith.index_cast %scan3A_58 : i32 to index
        %get3A_73 = arith.constant 16 : index
        %get3A_74 = tpu.vector_load %arg9[%get3A_72, %get3A_73] {strides = array<i32>} : memref<80x128xf32, #tpu.memory_space<vmem>>, vector<1x16xf32>,
        %get3A_75 = vector.shape_cast %get3A_74 : vector<1x16xf32> to vector<16xf32>
        %get3A_76 = arith.index_cast %scan3A_58 : i32 to index
        %get3A_77 = arith.constant 16 : index
        %get3A_78 = tpu.vector_load %arg10[%get3A_76, %get3A_77] {strides = array<i32>} : memref<80x128xf32, #tpu.memory_space<vmem>>, vector<1x16xf32>,
        %get3A_79 = vector.shape_cast %get3A_78 : vector<1x16xf32> to vector<16xf32>
        %mul3A_80 = arith.mulf %get3A_75, %get3A_79 : vector<16xf32>
        %swap3A_81 = arith.index_cast %scan3A_58 : i32 to index
        %swap3A_82 = arith.constant 16 : index
        %swap3A_83 = tpu.vector_load %arg9[%swap3A_81, %swap3A_82] {strides = array<i32>} : memref<80x128xf32, #tpu.memory_space<vmem>>, vector<1x16xf32>,
        %swap3A_84 = vector.shape_cast %swap3A_83 : vector<1x16xf32> to vector<16xf32>
        %swap3A_85 = vector.shape_cast %mul3A_80 : vector<16xf32> to vector<1x16xf32>
        tpu.vector_store %arg9[%swap3A_81, %swap3A_82], %swap3A_85 {strides = array<i32>} : memref<80x128xf32, #tpu.memory_space<vmem>>, vector<1x16xf32>,
        %get3A_86 = arith.index_cast %scan3A_58 : i32 to index
        %get3A_87 = arith.constant 32 : index
        %get3A_88 = tpu.vector_load %arg9[%get3A_86, %get3A_87] {strides = array<i32>} : memref<80x128xf32, #tpu.memory_space<vmem>>, vector<1x16xf32>,
        %get3A_89 = vector.shape_cast %get3A_88 : vector<1x16xf32> to vector<16xf32>
        %get3A_90 = arith.index_cast %scan3A_58 : i32 to index
        %get3A_91 = arith.constant 32 : index
        %get3A_92 = tpu.vector_load %arg10[%get3A_90, %get3A_91] {strides = array<i32>} : memref<80x128xf32, #tpu.memory_space<vmem>>, vector<1x16xf32>,
        %get3A_93 = vector.shape_cast %get3A_92 : vector<1x16xf32> to vector<16xf32>
        %mul3A_94 = arith.mulf %get3A_89, %get3A_93 : vector<16xf32>
        %swap3A_95 = arith.index_cast %scan3A_58 : i32 to index
        %swap3A_96 = arith.constant 32 : index
        %swap3A_97 = tpu.vector_load %arg9[%swap3A_95, %swap3A_96] {strides = array<i32>} : memref<80x128xf32, #tpu.memory_space<vmem>>, vector<1x16xf32>,
        %swap3A_98 = vector.shape_cast %swap3A_97 : vector<1x16xf32> to vector<16xf32>
        %swap3A_99 = vector.shape_cast %mul3A_94 : vector<16xf32> to vector<1x16xf32>
        tpu.vector_store %arg9[%swap3A_95, %swap3A_96], %swap3A_99 {strides = array<i32>} : memref<80x128xf32, #tpu.memory_space<vmem>>, vector<1x16xf32>,
        %get3A_100 = arith.index_cast %scan3A_58 : i32 to index
        %get3A_101 = arith.constant 48 : index
        %get3A_102 = tpu.vector_load %arg9[%get3A_100, %get3A_101] {strides = array<i32>} : memref<80x128xf32, #tpu.memory_space<vmem>>, vector<1x16xf32>,
        %get3A_103 = vector.shape_cast %get3A_102 : vector<1x16xf32> to vector<16xf32>
        %get3A_104 = arith.index_cast %scan3A_58 : i32 to index
        %get3A_105 = arith.constant 48 : index
        %get3A_106 = tpu.vector_load %arg10[%get3A_104, %get3A_105] {strides = array<i32>} : memref<80x128xf32, #tpu.memory_space<vmem>>, vector<1x16xf32>,
        %get3A_107 = vector.shape_cast %get3A_106 : vector<1x16xf32> to vector<16xf32>
        %mul3A_108 = arith.mulf %get3A_103, %get3A_107 : vector<16xf32>
        %swap3A_109 = arith.index_cast %scan3A_58 : i32 to index
        %swap3A_110 = arith.constant 48 : index
        %swap3A_111 = tpu.vector_load %arg9[%swap3A_109, %swap3A_110] {strides = array<i32>} : memref<80x128xf32, #tpu.memory_space<vmem>>, vector<1x16xf32>,
        %swap3A_112 = vector.shape_cast %swap3A_111 : vector<1x16xf32> to vector<16xf32>
        %swap3A_113 = vector.shape_cast %mul3A_108 : vector<16xf32> to vector<1x16xf32>
        tpu.vector_store %arg9[%swap3A_109, %swap3A_110], %swap3A_113 {strides = array<i32>} : memref<80x128xf32, #tpu.memory_space<vmem>>, vector<1x16xf32>,
        %get3A_114 = arith.index_cast %scan3A_58 : i32 to index
        %get3A_115 = arith.constant 64 : index
        %get3A_116 = tpu.vector_load %arg9[%get3A_114, %get3A_115] {strides = array<i32>} : memref<80x128xf32, #tpu.memory_space<vmem>>, vector<1x16xf32>,
        %get3A_117 = vector.shape_cast %get3A_116 : vector<1x16xf32> to vector<16xf32>
        %get3A_118 = arith.index_cast %scan3A_58 : i32 to index
        %get3A_119 = arith.constant 64 : index
        %get3A_120 = tpu.vector_load %arg10[%get3A_118, %get3A_119] {strides = array<i32>} : memref<80x128xf32, #tpu.memory_space<vmem>>, vector<1x16xf32>,
        %get3A_121 = vector.shape_cast %get3A_120 : vector<1x16xf32> to vector<16xf32>
        %mul3A_122 = arith.mulf %get3A_117, %get3A_121 : vector<16xf32>
        %swap3A_123 = arith.index_cast %scan3A_58 : i32 to index
        %swap3A_124 = arith.constant 64 : index
        %swap3A_125 = tpu.vector_load %arg9[%swap3A_123, %swap3A_124] {strides = array<i32>} : memref<80x128xf32, #tpu.memory_space<vmem>>, vector<1x16xf32>,
        %swap3A_126 = vector.shape_cast %swap3A_125 : vector<1x16xf32> to vector<16xf32>
        %swap3A_127 = vector.shape_cast %mul3A_122 : vector<16xf32> to vector<1x16xf32>
        tpu.vector_store %arg9[%swap3A_123, %swap3A_124], %swap3A_127 {strides = array<i32>} : memref<80x128xf32, #tpu.memory_space<vmem>>, vector<1x16xf32>,
        %get3A_128 = arith.index_cast %scan3A_58 : i32 to index
        %get3A_129 = arith.constant 80 : index
        %get3A_130 = tpu.vector_load %arg9[%get3A_128, %get3A_129] {strides = array<i32>} : memref<80x128xf32, #tpu.memory_space<vmem>>, vector<1x16xf32>,
        %get3A_131 = vector.shape_cast %get3A_130 : vector<1x16xf32> to vector<16xf32>
        %get3A_132 = arith.index_cast %scan3A_58 : i32 to index
        %get3A_133 = arith.constant 80 : index
        %get3A_134 = tpu.vector_load %arg10[%get3A_132, %get3A_133] {strides = array<i32>} : memref<80x128xf32, #tpu.memory_space<vmem>>, vector<1x16xf32>,
        %get3A_135 = vector.shape_cast %get3A_134 : vector<1x16xf32> to vector<16xf32>
        %mul3A_136 = arith.mulf %get3A_131, %get3A_135 : vector<16xf32>
        %swap3A_137 = arith.index_cast %scan3A_58 : i32 to index
        %swap3A_138 = arith.constant 80 : index
        %swap3A_139 = tpu.vector_load %arg9[%swap3A_137, %swap3A_138] {strides = array<i32>} : memref<80x128xf32, #tpu.memory_space<vmem>>, vector<1x16xf32>,
        %swap3A_140 = vector.shape_cast %swap3A_139 : vector<1x16xf32> to vector<16xf32>
        %swap3A_141 = vector.shape_cast %mul3A_136 : vector<16xf32> to vector<1x16xf32>
        tpu.vector_store %arg9[%swap3A_137, %swap3A_138], %swap3A_141 {strides = array<i32>} : memref<80x128xf32, #tpu.memory_space<vmem>>, vector<1x16xf32>,
        %get3A_142 = arith.index_cast %scan3A_58 : i32 to index
        %get3A_143 = arith.constant 96 : index
        %get3A_144 = tpu.vector_load %arg9[%get3A_142, %get3A_143] {strides = array<i32>} : memref<80x128xf32, #tpu.memory_space<vmem>>, vector<1x16xf32>,
        %get3A_145 = vector.shape_cast %get3A_144 : vector<1x16xf32> to vector<16xf32>
        %get3A_146 = arith.index_cast %scan3A_58 : i32 to index
        %get3A_147 = arith.constant 96 : index
        %get3A_148 = tpu.vector_load %arg10[%get3A_146, %get3A_147] {strides = array<i32>} : memref<80x128xf32, #tpu.memory_space<vmem>>, vector<1x16xf32>,
        %get3A_149 = vector.shape_cast %get3A_148 : vector<1x16xf32> to vector<16xf32>
        %mul3A_150 = arith.mulf %get3A_145, %get3A_149 : vector<16xf32>
        %swap3A_151 = arith.index_cast %scan3A_58 : i32 to index
        %swap3A_152 = arith.constant 96 : index
        %swap3A_153 = tpu.vector_load %arg9[%swap3A_151, %swap3A_152] {strides = array<i32>} : memref<80x128xf32, #tpu.memory_space<vmem>>, vector<1x16xf32>,
        %swap3A_154 = vector.shape_cast %swap3A_153 : vector<1x16xf32> to vector<16xf32>
        %swap3A_155 = vector.shape_cast %mul3A_150 : vector<16xf32> to vector<1x16xf32>
        tpu.vector_store %arg9[%swap3A_151, %swap3A_152], %swap3A_155 {strides = array<i32>} : memref<80x128xf32, #tpu.memory_space<vmem>>, vector<1x16xf32>,
        %get3A_156 = arith.index_cast %scan3A_58 : i32 to index
        %get3A_157 = arith.constant 112 : index
        %get3A_158 = tpu.vector_load %arg9[%get3A_156, %get3A_157] {strides = array<i32>} : memref<80x128xf32, #tpu.memory_space<vmem>>, vector<1x16xf32>,
        %get3A_159 = vector.shape_cast %get3A_158 : vector<1x16xf32> to vector<16xf32>
        %get3A_160 = arith.index_cast %scan3A_58 : i32 to index
        %get3A_161 = arith.constant 112 : index
        %get3A_162 = tpu.vector_load %arg10[%get3A_160, %get3A_161] {strides = array<i32>} : memref<80x128xf32, #tpu.memory_space<vmem>>, vector<1x16xf32>,
        %get3A_163 = vector.shape_cast %get3A_162 : vector<1x16xf32> to vector<16xf32>
        %mul3A_164 = arith.mulf %get3A_159, %get3A_163 : vector<16xf32>
        %swap3A_165 = arith.index_cast %scan3A_58 : i32 to index
        %swap3A_166 = arith.constant 112 : index
        %swap3A_167 = tpu.vector_load %arg9[%swap3A_165, %swap3A_166] {strides = array<i32>} : memref<80x128xf32, #tpu.memory_space<vmem>>, vector<1x16xf32>,
        %swap3A_168 = vector.shape_cast %swap3A_167 : vector<1x16xf32> to vector<16xf32>
        %swap3A_169 = vector.shape_cast %mul3A_164 : vector<16xf32> to vector<1x16xf32>
        tpu.vector_store %arg9[%swap3A_165, %swap3A_166], %swap3A_169 {strides = array<i32>} : memref<80x128xf32, #tpu.memory_space<vmem>>, vector<1x16xf32>,
        %scan3A_170 = arith.constant 0 : i32
        scf.yield %scan3A_170 : i32
      }
      %scan3A_55 = arith.constant 80 : i32
      %run_scoped3A_56 = arith.constant 0 : i32
      "tpu.region"() ({
        %run_scoped3A_58 = tpu.sem_alloc : memref<!tpu.dma_semaphore, #tpu.memory_space<semaphore_mem>>
        %dma_start3A_59 = arith.constant 0 : i32
        %dma_start3A_60 = tpu.memref_slice %arg8[%run_scoped3A_56, %dma_start3A_59] : memref<1x80xi32, #tpu.memory_space<vmem>> -> memref<1x80xi32, #tpu.memory_space<vmem>>
        %dma_start3A_61 = tpu.memref_squeeze %dma_start3A_60 : memref<1x80xi32, #tpu.memory_space<vmem>> -> memref<80xi32, #tpu.memory_space<vmem>>
        %dma_start3A_62 = arith.constant 0 : i32
        %dma_start3A_63 = arith.constant 0 : i32
        %dma_start3A_64 = tpu.memref_slice %arg12[%dma_start3A_62, %dma_start3A_63] : memref<10000x128xf32, #tpu.memory_space<vmem_shared>> -> memref<10000x128xf32, #tpu.memory_space<vmem_shared>>
        tpu.enqueue_indirect_dma source(%arg9 : memref<80x128xf32, #tpu.memory_space<vmem>>) target(%dma_start3A_64 : memref<10000x128xf32, #tpu.memory_space<vmem_shared>>) offsets(%dma_start3A_61 : memref<80xi32, #tpu.memory_space<vmem>>) semaphore(%run_scoped3A_58 : memref<!tpu.dma_semaphore, #tpu.memory_space<semaphore_mem>>) {add = true}
        %dma_wait3A_65 = arith.constant 0 : i32
        %dma_wait3A_66 = tpu.memref_slice %arg8[%run_scoped3A_56, %dma_wait3A_65] : memref<1x80xi32, #tpu.memory_space<vmem>> -> memref<1x80xi32, #tpu.memory_space<vmem>>
        %dma_wait3A_67 = tpu.memref_squeeze %dma_wait3A_66 : memref<1x80xi32, #tpu.memory_space<vmem>> -> memref<80xi32, #tpu.memory_space<vmem>>
        %dma_wait3A_68 = arith.constant 0 : i32
        %dma_wait3A_69 = arith.constant 0 : i32
        %dma_wait3A_70 = tpu.memref_slice %arg12[%dma_wait3A_68, %dma_wait3A_69] : memref<10000x128xf32, #tpu.memory_space<vmem_shared>> -> memref<10000x128xf32, #tpu.memory_space<vmem_shared>>
        tpu.wait_indirect_dma semaphore(%run_scoped3A_58 : memref<!tpu.dma_semaphore, #tpu.memory_space<semaphore_mem>>) src(%arg9 : memref<80x128xf32, #tpu.memory_space<vmem>>) dst(%dma_wait3A_70 : memref<10000x128xf32, #tpu.memory_space<vmem_shared>>)
        tpu.yield
      }) : () -> ()
      %scan3A_57 = arith.constant 0 : i32
      scf.yield %scan3A_57 : i32
    }
    %scan3A_21 = arith.constant 125 : i32
    %barrier3A_22 = arith.constant 0 : index
    tpu.barrier barrier_id(%barrier3A_22)
    %scan3A_23 = arith.constant 0 : i32
    %scan3A_24 = arith.constant 0 : i32
    %scan3A_25 = arith.constant 40 : i32
    %scan3A_26 = arith.addi %scan3A_24, %scan3A_25 : i32
    %scan3A_27 = arith.constant 1 : i32
    %scan3A_28 = scf.for %scan3A_30 = %scan3A_24 to %scan3A_26 step %scan3A_27 iter_args(%scan3A_31 = %scan3A_23) -> (i32)  : i32 {
      %mul3A_32 = arith.constant 16 : i32
      %mul3A_33 = arith.muli %scan3A_30, %mul3A_32 : i32
      %add3A_34 = arith.addi %arg1, %mul3A_33 : i32
      %lt3A = arith.constant 625 : i32
      %lt3A_35 = arith.cmpi slt, %add3A_34, %lt3A : i32
      %convert_element_type3A = arith.extui %lt3A_35 : i1 to i32
      %cond3A = arith.constant 0 : i32
      %cond3A_36 = arith.cmpi ne, %convert_element_type3A, %cond3A : i32
      scf.if %cond3A_36 {
        %mul3A_38 = arith.constant 16 : i32
        %mul3A_39 = arith.muli %add3A_34, %mul3A_38 : i32
        %mul3A_40 = arith.constant 16 : i32
        %mul3A_41 = arith.muli %add3A_34, %mul3A_40 : i32
        "tpu.region"() ({
          %run_scoped3A = tpu.sem_alloc : memref<!tpu.dma_semaphore, #tpu.memory_space<semaphore_mem>>
          %dma_start3A = arith.constant 0 : i32
          %dma_start3A_42 = tpu.memref_slice %arg6[%arg0, %mul3A_41, %dma_start3A] : memref<2x10000x128xf32, #tpu.memory_space<hbm>> -> memref<1x16x128xf32, #tpu.memory_space<hbm>>
          %dma_start3A_43 = tpu.memref_squeeze %dma_start3A_42 : memref<1x16x128xf32, #tpu.memory_space<hbm>> -> memref<16x128xf32, #tpu.memory_space<hbm>>
          %dma_start3A_44 = arith.constant 0 : i32
          %dma_start3A_45 = tpu.memref_slice %arg12[%mul3A_39, %dma_start3A_44] : memref<10000x128xf32, #tpu.memory_space<vmem_shared>> -> memref<16x128xf32, #tpu.memory_space<vmem_shared>>
          tpu.enqueue_dma source(%dma_start3A_45 : memref<16x128xf32, #tpu.memory_space<vmem_shared>>) target(%dma_start3A_43 : memref<16x128xf32, #tpu.memory_space<hbm>>) target_semaphore(%run_scoped3A : memref<!tpu.dma_semaphore, #tpu.memory_space<semaphore_mem>>)
          %dma_wait3A = arith.constant 0 : i32
          %dma_wait3A_46 = tpu.memref_slice %arg6[%arg0, %mul3A_41, %dma_wait3A] : memref<2x10000x128xf32, #tpu.memory_space<hbm>> -> memref<1x16x128xf32, #tpu.memory_space<hbm>>
          %dma_wait3A_47 = tpu.memref_squeeze %dma_wait3A_46 : memref<1x16x128xf32, #tpu.memory_space<hbm>> -> memref<16x128xf32, #tpu.memory_space<hbm>>
          %dma_wait3A_48 = arith.constant 0 : i32
          %dma_wait3A_49 = tpu.memref_slice %arg12[%mul3A_39, %dma_wait3A_48] : memref<10000x128xf32, #tpu.memory_space<vmem_shared>> -> memref<16x128xf32, #tpu.memory_space<vmem_shared>>
          tpu.wait_dma2 semaphore(%run_scoped3A : memref<!tpu.dma_semaphore, #tpu.memory_space<semaphore_mem>>) src(%dma_wait3A_49 : memref<16x128xf32, #tpu.memory_space<vmem_shared>>) dst(%dma_wait3A_47 : memref<16x128xf32, #tpu.memory_space<hbm>>)
          tpu.yield
        }) : () -> ()
      } else {
      }
      %scan3A_37 = arith.constant 0 : i32
      scf.yield %scan3A_37 : i32
    }
    %scan3A_29 = arith.constant 40 : i32
    return
  }
}

module attributes {stable_mosaic.version = 14 : i64} {
  func.func @_node_pre_body(%arg0: i32, %arg1: memref<1000x128xf32, #tpu.memory_space<vmem>>, %arg2: memref<1000x1xf32, #tpu.memory_space<vmem>>, %arg3: memref<128x256xf32, #tpu.memory_space<vmem>>, %arg4: memref<1000x256xf32, #tpu.memory_space<vmem>>) attributes {dimension_semantics = [#tpu.dimension_semantics<arbitrary>], iteration_bounds = array<i64: 10>, scalar_prefetch = 0 : i64, scratch_operands = 0 : i64, tpu.core_type = #tpu.core_type<tc>, window_params = [{transform_indices = @transform_0, window_bounds = array<i64: 1000, 128>}, {transform_indices = @transform_1, window_bounds = array<i64: 1000, 1>}, {pipeline_mode = #tpu.pipeline_mode<synchronous>, transform_indices = @transform_2, window_bounds = array<i64: 128, 256>}, {transform_indices = @transform_3, window_bounds = array<i64: 1000, 256>}]} {
    %get3A = arith.constant 0 : index
    %get3A_0 = arith.constant 0 : index
    %get3A_1 = vector.load %arg1[%get3A, %get3A_0] : memref<1000x128xf32, #tpu.memory_space<vmem>>, vector<1000x128xf32>
    %get3A_2 = arith.constant 0 : index
    %get3A_3 = arith.constant 0 : index
    %get3A_4 = vector.load %arg3[%get3A_2, %get3A_3] : memref<128x256xf32, #tpu.memory_space<vmem>>, vector<128x256xf32>
    %dot_general3A = arith.constant dense<0.000000e+00> : vector<1000x256xf32>
    %dot_general3A_5 = tpu.matmul %get3A_1, %get3A_4, %dot_general3A {dimension_numbers = #tpu.dot_dimension_numbers<[1], [0], [0], [1], [0, 0, 1, 1], [], []>, transpose_lhs_hint = false} : vector<1000x128xf32>, vector<128x256xf32>, vector<1000x256xf32> -> vector<1000x256xf32>
    %get3A_6 = arith.constant 0 : index
    %get3A_7 = arith.constant 0 : index
    %get3A_8 = vector.load %arg2[%get3A_6, %get3A_7] : memref<1000x1xf32, #tpu.memory_space<vmem>>, vector<1000x1xf32>
    %mul3A = vector.broadcast %get3A_8 : vector<1000x1xf32> to vector<1000x256xf32>
    %mul3A_9 = arith.mulf %dot_general3A_5, %mul3A : vector<1000x256xf32>
    %swap3A = arith.constant 0 : index
    %swap3A_10 = arith.constant 0 : index
    %swap3A_11 = vector.load %arg4[%swap3A, %swap3A_10] : memref<1000x256xf32, #tpu.memory_space<vmem>>, vector<1000x256xf32>
    tpu.vector_store %arg4[%swap3A, %swap3A_10], %mul3A_9 {strides = array<i32>} : memref<1000x256xf32, #tpu.memory_space<vmem>>, vector<1000x256xf32>,
    return
  }
  func.func @transform_0(%arg0: i32) -> (i32, i32) {
    %c0_i32 = arith.constant 0 : i32
    %c0_i32_0 = arith.constant 0 : i32
    return %arg0, %c0_i32 : i32, i32
  }
  func.func @transform_1(%arg0: i32) -> (i32, i32) {
    %c0_i32 = arith.constant 0 : i32
    %c0_i32_0 = arith.constant 0 : i32
    return %arg0, %c0_i32 : i32, i32
  }
  func.func @transform_2(%arg0: i32) -> (i32, i32) {
    %c0_i32 = arith.constant 0 : i32
    %c0_i32_0 = arith.constant 0 : i32
    %c0_i32_1 = arith.constant 0 : i32
    return %c0_i32, %c0_i32_0 : i32, i32
  }
  func.func @transform_3(%arg0: i32) -> (i32, i32) {
    %c0_i32 = arith.constant 0 : i32
    %c0_i32_0 = arith.constant 0 : i32
    return %arg0, %c0_i32 : i32, i32
  }
}

module attributes {stable_mosaic.version = 14 : i64} {
  func.func @_edge_w_body(%arg0: i32, %arg1: memref<3200x16xf32, #tpu.memory_space<vmem>>, %arg2: memref<3200x1xf32, #tpu.memory_space<vmem>>, %arg3: memref<16x64xf32, #tpu.memory_space<vmem>>, %arg4: memref<64x128xf32, #tpu.memory_space<vmem>>, %arg5: memref<3200x128xf32, #tpu.memory_space<vmem>>) attributes {dimension_semantics = [#tpu.dimension_semantics<arbitrary>], iteration_bounds = array<i64: 100>, scalar_prefetch = 0 : i64, scratch_operands = 0 : i64, tpu.core_type = #tpu.core_type<tc>, window_params = [{transform_indices = @transform_0, window_bounds = array<i64: 3200, 16>}, {transform_indices = @transform_1, window_bounds = array<i64: 3200, 1>}, {pipeline_mode = #tpu.pipeline_mode<synchronous>, transform_indices = @transform_2, window_bounds = array<i64: 16, 64>}, {pipeline_mode = #tpu.pipeline_mode<synchronous>, transform_indices = @transform_3, window_bounds = array<i64: 64, 128>}, {transform_indices = @transform_4, window_bounds = array<i64: 3200, 128>}]} {
    %get3A = arith.constant 0 : index
    %get3A_0 = arith.constant 0 : index
    %get3A_1 = vector.load %arg1[%get3A, %get3A_0] : memref<3200x16xf32, #tpu.memory_space<vmem>>, vector<3200x16xf32>
    %get3A_2 = arith.constant 0 : index
    %get3A_3 = arith.constant 0 : index
    %get3A_4 = vector.load %arg3[%get3A_2, %get3A_3] : memref<16x64xf32, #tpu.memory_space<vmem>>, vector<16x64xf32>
    %dot_general3A = arith.constant dense<0.000000e+00> : vector<3200x64xf32>
    %dot_general3A_5 = tpu.matmul %get3A_1, %get3A_4, %dot_general3A {dimension_numbers = #tpu.dot_dimension_numbers<[1], [0], [0], [1], [0, 0, 1, 1], [], []>, transpose_lhs_hint = false} : vector<3200x16xf32>, vector<16x64xf32>, vector<3200x64xf32> -> vector<3200x64xf32>
    %logistic3A = arith.negf %dot_general3A_5 : vector<3200x64xf32>
    %logistic3A_6 = math.exp %logistic3A : vector<3200x64xf32>
    %logistic3A_7 = arith.constant 1.000000e+00 : f32
    %logistic3A_8 = vector.broadcast %logistic3A_7 : f32 to vector<3200x64xf32>
    %logistic3A_9 = arith.addf %logistic3A_8, %logistic3A_6 : vector<3200x64xf32>
    %logistic3A_10 = arith.divf %logistic3A_8, %logistic3A_9 : vector<3200x64xf32>
    %mul3A = arith.mulf %dot_general3A_5, %logistic3A_10 : vector<3200x64xf32>
    %get3A_11 = arith.constant 0 : index
    %get3A_12 = arith.constant 0 : index
    %get3A_13 = vector.load %arg4[%get3A_11, %get3A_12] : memref<64x128xf32, #tpu.memory_space<vmem>>, vector<64x128xf32>
    %dot_general3A_14 = arith.constant dense<0.000000e+00> : vector<3200x128xf32>
    %dot_general3A_15 = tpu.matmul %mul3A, %get3A_13, %dot_general3A_14 {dimension_numbers = #tpu.dot_dimension_numbers<[1], [0], [0], [1], [0, 0, 1, 1], [], []>, transpose_lhs_hint = false} : vector<3200x64xf32>, vector<64x128xf32>, vector<3200x128xf32> -> vector<3200x128xf32>
    %get3A_16 = arith.constant 0 : index
    %get3A_17 = arith.constant 0 : index
    %get3A_18 = vector.load %arg2[%get3A_16, %get3A_17] : memref<3200x1xf32, #tpu.memory_space<vmem>>, vector<3200x1xf32>
    %mul3A_19 = vector.broadcast %get3A_18 : vector<3200x1xf32> to vector<3200x128xf32>
    %mul3A_20 = arith.mulf %dot_general3A_15, %mul3A_19 : vector<3200x128xf32>
    %swap3A = arith.constant 0 : index
    %swap3A_21 = arith.constant 0 : index
    %swap3A_22 = vector.load %arg5[%swap3A, %swap3A_21] : memref<3200x128xf32, #tpu.memory_space<vmem>>, vector<3200x128xf32>
    tpu.vector_store %arg5[%swap3A, %swap3A_21], %mul3A_20 {strides = array<i32>} : memref<3200x128xf32, #tpu.memory_space<vmem>>, vector<3200x128xf32>,
    return
  }
  func.func @transform_0(%arg0: i32) -> (i32, i32) {
    %c0_i32 = arith.constant 0 : i32
    %c0_i32_0 = arith.constant 0 : i32
    return %arg0, %c0_i32 : i32, i32
  }
  func.func @transform_1(%arg0: i32) -> (i32, i32) {
    %c0_i32 = arith.constant 0 : i32
    %c0_i32_0 = arith.constant 0 : i32
    return %arg0, %c0_i32 : i32, i32
  }
  func.func @transform_2(%arg0: i32) -> (i32, i32) {
    %c0_i32 = arith.constant 0 : i32
    %c0_i32_0 = arith.constant 0 : i32
    %c0_i32_1 = arith.constant 0 : i32
    return %c0_i32, %c0_i32_0 : i32, i32
  }
  func.func @transform_3(%arg0: i32) -> (i32, i32) {
    %c0_i32 = arith.constant 0 : i32
    %c0_i32_0 = arith.constant 0 : i32
    %c0_i32_1 = arith.constant 0 : i32
    return %c0_i32, %c0_i32_0 : i32, i32
  }
  func.func @transform_4(%arg0: i32) -> (i32, i32) {
    %c0_i32 = arith.constant 0 : i32
    %c0_i32_0 = arith.constant 0 : i32
    return %arg0, %c0_i32 : i32, i32
  }
}

module attributes {stable_mosaic.version = 14 : i64} {
  func.func @_post_body(%arg0: i32, %arg1: memref<1000x128xf32, #tpu.memory_space<vmem>>, %arg2: memref<1000x128xf32, #tpu.memory_space<vmem>>, %arg3: memref<1000x128xf32, #tpu.memory_space<vmem>>, %arg4: memref<1000x1xf32, #tpu.memory_space<vmem>>, %arg5: memref<128x128xf32, #tpu.memory_space<vmem>>, %arg6: memref<1x128xf32, #tpu.memory_space<vmem>>, %arg7: memref<1000x128xf32, #tpu.memory_space<vmem>>) attributes {dimension_semantics = [#tpu.dimension_semantics<arbitrary>], iteration_bounds = array<i64: 10>, scalar_prefetch = 0 : i64, scratch_operands = 0 : i64, tpu.core_type = #tpu.core_type<tc>, window_params = [{transform_indices = @transform_0, window_bounds = array<i64: 1000, 128>}, {transform_indices = @transform_1, window_bounds = array<i64: 1000, 128>}, {transform_indices = @transform_2, window_bounds = array<i64: 1000, 128>}, {transform_indices = @transform_3, window_bounds = array<i64: 1000, 1>}, {pipeline_mode = #tpu.pipeline_mode<synchronous>, transform_indices = @transform_4, window_bounds = array<i64: 128, 128>}, {pipeline_mode = #tpu.pipeline_mode<synchronous>, transform_indices = @transform_5, window_bounds = array<i64: 1, 128>}, {transform_indices = @transform_6, window_bounds = array<i64: 1000, 128>}]} {
    %get3A = arith.constant 0 : index
    %get3A_0 = arith.constant 0 : index
    %get3A_1 = vector.load %arg1[%get3A, %get3A_0] : memref<1000x128xf32, #tpu.memory_space<vmem>>, vector<1000x128xf32>
    %get3A_2 = arith.constant 0 : index
    %get3A_3 = arith.constant 0 : index
    %get3A_4 = vector.load %arg2[%get3A_2, %get3A_3] : memref<1000x128xf32, #tpu.memory_space<vmem>>, vector<1000x128xf32>
    %add3A = arith.addf %get3A_1, %get3A_4 : vector<1000x128xf32>
    %get3A_5 = arith.constant 0 : index
    %get3A_6 = arith.constant 0 : index
    %get3A_7 = vector.load %arg4[%get3A_5, %get3A_6] : memref<1000x1xf32, #tpu.memory_space<vmem>>, vector<1000x1xf32>
    %get3A_8 = arith.constant 0 : index
    %get3A_9 = arith.constant 0 : index
    %get3A_10 = vector.load %arg5[%get3A_8, %get3A_9] : memref<128x128xf32, #tpu.memory_space<vmem>>, vector<128x128xf32>
    %dot_general3A = arith.constant dense<0.000000e+00> : vector<1000x128xf32>
    %dot_general3A_11 = tpu.matmul %add3A, %get3A_10, %dot_general3A {dimension_numbers = #tpu.dot_dimension_numbers<[1], [0], [0], [1], [0, 0, 1, 1], [], []>, transpose_lhs_hint = false} : vector<1000x128xf32>, vector<128x128xf32>, vector<1000x128xf32> -> vector<1000x128xf32>
    %mul3A = vector.broadcast %get3A_7 : vector<1000x1xf32> to vector<1000x128xf32>
    %mul3A_12 = arith.mulf %dot_general3A_11, %mul3A : vector<1000x128xf32>
    %get3A_13 = arith.constant 0 : index
    %get3A_14 = arith.constant 0 : index
    %get3A_15 = vector.load %arg6[%get3A_13, %get3A_14] : memref<1x128xf32, #tpu.memory_space<vmem>>, vector<1x128xf32>
    %mul3A_16 = vector.broadcast %get3A_15 : vector<1x128xf32> to vector<1000x128xf32>
    %mul3A_17 = arith.mulf %add3A, %mul3A_16 : vector<1000x128xf32>
    %reduce_sum3A = arith.constant dense<0.000000e+00> : vector<1000xf32>
    %reduce_sum3A_18 = vector.multi_reduction <add>, %mul3A_17, %reduce_sum3A [1] : vector<1000x128xf32> to vector<1000xf32>
    %broadcast_in_dim3A = vector.shape_cast %reduce_sum3A_18 : vector<1000xf32> to vector<1000x1xf32>
    %mul3A_19 = arith.mulf %broadcast_in_dim3A, %get3A_7 : vector<1000x1xf32>
    %cos3A = math.cos %mul3A_19 : vector<1000x1xf32>
    %get3A_20 = arith.constant 0 : index
    %get3A_21 = arith.constant 0 : index
    %get3A_22 = vector.load %arg3[%get3A_20, %get3A_21] : memref<1000x128xf32, #tpu.memory_space<vmem>>, vector<1000x128xf32>
    %mul3A_23 = vector.broadcast %cos3A : vector<1000x1xf32> to vector<1000x128xf32>
    %mul3A_24 = arith.mulf %mul3A_23, %get3A_22 : vector<1000x128xf32>
    %sin3A = math.sin %mul3A_19 : vector<1000x1xf32>
    %mul3A_25 = vector.broadcast %sin3A : vector<1000x1xf32> to vector<1000x128xf32>
    %mul3A_26 = arith.mulf %mul3A_25, %mul3A_12 : vector<1000x128xf32>
    %add3A_27 = arith.addf %mul3A_24, %mul3A_26 : vector<1000x128xf32>
    %swap3A = arith.constant 0 : index
    %swap3A_28 = arith.constant 0 : index
    %swap3A_29 = vector.load %arg7[%swap3A, %swap3A_28] : memref<1000x128xf32, #tpu.memory_space<vmem>>, vector<1000x128xf32>
    tpu.vector_store %arg7[%swap3A, %swap3A_28], %add3A_27 {strides = array<i32>} : memref<1000x128xf32, #tpu.memory_space<vmem>>, vector<1000x128xf32>,
    return
  }
  func.func @transform_0(%arg0: i32) -> (i32, i32) {
    %c0_i32 = arith.constant 0 : i32
    %c0_i32_0 = arith.constant 0 : i32
    return %arg0, %c0_i32 : i32, i32
  }
  func.func @transform_1(%arg0: i32) -> (i32, i32) {
    %c0_i32 = arith.constant 0 : i32
    %c0_i32_0 = arith.constant 0 : i32
    return %arg0, %c0_i32 : i32, i32
  }
  func.func @transform_2(%arg0: i32) -> (i32, i32) {
    %c0_i32 = arith.constant 0 : i32
    %c0_i32_0 = arith.constant 0 : i32
    return %arg0, %c0_i32 : i32, i32
  }
  func.func @transform_3(%arg0: i32) -> (i32, i32) {
    %c0_i32 = arith.constant 0 : i32
    %c0_i32_0 = arith.constant 0 : i32
    return %arg0, %c0_i32 : i32, i32
  }
  func.func @transform_4(%arg0: i32) -> (i32, i32) {
    %c0_i32 = arith.constant 0 : i32
    %c0_i32_0 = arith.constant 0 : i32
    %c0_i32_1 = arith.constant 0 : i32
    return %c0_i32, %c0_i32_0 : i32, i32
  }
  func.func @transform_5(%arg0: i32) -> (i32, i32) {
    %c0_i32 = arith.constant 0 : i32
    %c0_i32_0 = arith.constant 0 : i32
    %c0_i32_1 = arith.constant 0 : i32
    return %c0_i32, %c0_i32_0 : i32, i32
  }
  func.func @transform_6(%arg0: i32) -> (i32, i32) {
    %c0_i32 = arith.constant 0 : i32
    %c0_i32_0 = arith.constant 0 : i32
    return %arg0, %c0_i32 : i32, i32
  }
}

</mosaic_0001>

<sc_bundles>
// kernel: kernel.6.cloned.1.call-start
scs
__scs_entry_jumppad:
0x0: {  	(pc) =	sbr.rel $0x88, $3  }
0x1: {  	(tag) =	ssettag $0x0;
	lr =	simm.s32 $0x1  }
0x2: {  	[smem:$0x3F95] =	sst lr;
	_ =	strace $0xD0000000  }
0x3: {  	_ = 	snop  }
0x4: {  	_ = 	snop  }
0x5: {  	_ = 	snop  }
0x6: {  	_ = 	snop  }
0x7: {  	_ = 	snop  }
__scs_overlays_trampoline_lowered:
0x8: {  	[smem:$0x3FA4] =	sst s0  }
0x9: {  	[smem:$0x3FA5] =	sst s1  }
0xa: {  	[smem:$0x3FA6] =	sst s2  }
0xb: {  	[smem:$0x3FA7] =	sst s3  }
0xc: {  	[smem:$0x3FA8] =	sst s4  }
0xd: {  	[smem:$0x3FA9] =	sst s5  }
0xe: {  	[smem:$0x3FAA] =	sst s6  }
0xf: {  	[smem:$0x3FAB] =	sst s7  }
0x10: {  	[smem:$0x3FAC] =	sst s8  }
0x11: {  	[smem:$0x3FAD] =	sst s9;
	s0 =	simm.s32 @!p0 $0x0  }
0x12: {  	s1 =	sld [smem:$0x3F93];
	s0 =	simm.s32 @p0 $0x1  }
0x13: {  	[smem:$0x3FAE] =	sst s0;
	s0 =	simm.s32 @!p1 $0x0  }
0x14: {  	s2 =	sld [smem:$0x3F92];
	s0 =	simm.s32 @p1 $0x1  }
0x15: {  	[smem:$0x3FAF] =	sst s0;
	s0 =	simm.s32 @!p2 $0x0  }
0x16: {  	s3 =	sld [smem:$0x3FDB];
	s0 =	simm.s32 @p2 $0x1  }
0x17: {  	s4 =	simm.s32 $0x1BF5;
	[smem:$0x3FB1] =	sst s0  }
0x18: {  	s0 =	sld [smem:$0x3F94];
	_ =	swait.ge [sflag:s4], $0x0  }
0x19: {  	s7 =	sld [smem:$0x3F95]  }
0x1a: {  	s8 =	sadd.s32 $0xFFFFE003, lr  }
0x1b: {  	s9 =	sadd.s32 $0xFFFFFEF7, lr;
	s5 =	simm.s32 $0xFFFFFFFF;
	p2 =	slt.u32 s8, $0xFFFFF086  }
0x1c: {  	p1 =	slt.u32 s9, $0xF7A;
	s5 =	simm.s32 @!p2 $0x0  }
0x1d: {  	s5 =	simm.s32 @p1 $0x1;
	p0 =	seq.s32 s7, s2  }
0x1e: {  	s7 =	smul.u32 @!p0 $0xF7A, s2;
	p2 =	seq.s32 @!p0 s5, $0x0  }
0x1f: {  	s9 =	smul.u32 $0xF7A, s1;
	s8 =	simm.s32 @!p0 $0x1BF5;
	p2 =	por !p2, p0  }
0x20: {  	[sflag:s8] =	ssyncset.s32 @!p0 $0xFFFFF086;
	s6 =	sadd.s32 @!p0 s3, s7;
	s7 =	simm.s32 @!p0 $0x108  }
0x21: {  	s3 =	sadd.s32 s3, s9;
	s6 =	sadd.s32 @!p0 $0x88, s6;
	s7 =	simm.s32 @p2 $0x1082  }
0x22: {  	[simem:s7], [sflag:s8] =	dma.local @!p0 [hbm:s6], $0xF7A  }
0x23: {  	s9 =	sor.u32 $0xD0000000, s2;
	s6 =	simm.s32 $0x108;
	_ =	swait.ge @!p0 [sflag:s8], $0x0  }
0x24: {  	s3 =	sadd.s32 $0x88, s3;
	s6 =	simm.s32 @!p1 $0x1082;
	[sflag:s4] =	ssyncset.s32 $0xFFFFF086  }
0x25: {  	[simem:s6], [sflag:s4] =	dma.local [hbm:s3], $0xF7A  }
0x26: {  	[smem:$0x3F95] =	sst s1;
	(tag) =	ssettag s2;
	_ =	strace s9  }
0x27: {  	s1 =	sld [smem:$0x3FA5]  }
0x28: {  	s2 =	sld [smem:$0x3FA6]  }
0x29: {  	s4 =	sld [smem:$0x3FA8]  }
0x2a: {  	p0 =	seq.s32 s5, $0x0;
	s5 =	sld [smem:$0x3FA9]  }
0x2b: {  	s6 =	sld [smem:$0x3FAA]  }
0x2c: {  	s7 =	sld [smem:$0x3FAB]  }
0x2d: {  	s3 =	simm.s32 $0x108;
	s8 =	sld [smem:$0x3FAC]  }
0x2e: {  	s3 =	simm.s32 @!p0 $0x1082;
	s9 =	sld [smem:$0x3FAD]  }
0x2f: {  	lr =	sadd.s32 s0, s3;
	s0 =	sld [smem:$0x3FA4]  }
0x30: {  	s3 =	sld [smem:$0x3FA7]  }
0x31: {  	[smem:$0x3FB0] =	sst s10  }
0x32: {  	s10 =	sld [smem:$0x3FAE];
	_ =	sdelay $0x3  }
0x33: {  	p0 =	seq.s32 s10, $0x1;
	s10 =	sld [smem:$0x3FB0];
	_ =	sdelay $0x3  }
0x34: {  	[smem:$0x3FB0] =	sst s10  }
0x35: {  	s10 =	sld [smem:$0x3FAF];
	_ =	sdelay $0x3  }
0x36: {  	p1 =	seq.s32 s10, $0x1;
	s10 =	sld [smem:$0x3FB0];
	_ =	sdelay $0x3  }
0x37: {  	[smem:$0x3FB0] =	sst s10  }
0x38: {  	s10 =	sld [smem:$0x3FB1]  }
0x39: {  	_ = 	snop;
	(pc) =	sbr.ind lr, $3  }
0x3a: {  	_ = 	snop  }
0x3b: {  	_ = 	snop  }
0x3c: {  	p2 =	seq.s32 s10, $0x1;
	s10 =	sld [smem:$0x3FB0]  }
0x3d: {  	_ =	shalt  }
0x3e: {  	_ =	shalt  }
0x3f: {  	_ =	shalt  }
0x40: {  	_ =	shalt  }
0x41: {  	_ =	shalt  }
0x42: {  	_ =	shalt  }
0x43: {  	_ =	shalt  }
0x44: {  	_ =	shalt  }
0x45: {  	_ =	shalt  }
0x46: {  	_ =	shalt  }
0x47: {  	_ =	shalt  }
0x48: {  	_ =	shalt  }
0x49: {  	_ =	shalt  }
0x4a: {  	_ =	shalt  }
0x4b: {  	_ =	shalt  }
0x4c: {  	_ =	shalt  }
0x4d: {  	_ =	shalt  }
0x4e: {  	_ =	shalt  }
0x4f: {  	_ =	shalt  }
0x50: {  	_ =	shalt  }
0x51: {  	_ =	shalt  }
0x52: {  	_ =	shalt  }
0x53: {  	_ =	shalt  }
0x54: {  	_ =	shalt  }
0x55: {  	_ =	shalt  }
0x56: {  	_ =	shalt  }
0x57: {  	_ =	shalt  }
0x58: {  	_ =	shalt  }
0x59: {  	_ =	shalt  }
0x5a: {  	_ =	shalt  }
0x5b: {  	_ =	shalt  }
0x5c: {  	_ =	shalt  }
0x5d: {  	_ =	shalt  }
0x5e: {  	_ =	shalt  }
0x5f: {  	_ =	shalt  }
0x60: {  	_ =	shalt  }
0x61: {  	_ =	shalt  }
0x62: {  	_ =	shalt  }
0x63: {  	_ =	shalt  }
0x64: {  	_ =	shalt  }
0x65: {  	_ =	shalt  }
0x66: {  	_ =	shalt  }
0x67: {  	_ =	shalt  }
0x68: {  	_ =	shalt  }
0x69: {  	_ =	shalt  }
0x6a: {  	_ =	shalt  }
0x6b: {  	_ =	shalt  }
0x6c: {  	_ =	shalt  }
0x6d: {  	_ =	shalt  }
0x6e: {  	_ =	shalt  }
0x6f: {  	_ =	shalt  }
0x70: {  	_ =	shalt  }
0x71: {  	_ =	shalt  }
0x72: {  	_ =	shalt  }
0x73: {  	_ =	shalt  }
0x74: {  	_ =	shalt  }
0x75: {  	_ =	shalt  }
0x76: {  	_ =	shalt  }
0x77: {  	_ =	shalt  }
0x78: {  	_ =	shalt  }
0x79: {  	_ =	shalt  }
0x7a: {  	_ =	shalt  }
0x7b: {  	_ =	shalt  }
0x7c: {  	_ =	shalt  }
0x7d: {  	_ =	shalt  }
0x7e: {  	_ =	shalt  }
0x7f: {  	_ =	shalt  }
0x80: {  	_ =	shalt  }
0x81: {  	_ =	shalt  }
0x82: {  	_ =	shalt  }
0x83: {  	_ =	shalt  }
0x84: {  	_ =	shalt  }
0x85: {  	_ =	shalt  }
0x86: {  	_ =	shalt  }
0x87: {  	_ =	shalt  }
.Lfunc_end0:
.L_simem_size_0:
called_computation_lowered:
.L_overlay_start_0:
0x88: {  	s2 =	sld [smem:$0x3FD9]  }
0x89: {  	s3 =	sld [smem:$0x3FFE];
	_ =	sdelay $0x1  }
0x8a: {  	s1 =	srdreg.scid  }
0x8b: {  	s0 =	sand.u32 $0x1, s1  }
0x8c: {  	s17 =	sshll.u32 s0, $0xA;
	s2 =	sadd.s32 s3, s2  }
0x8d: {  	s2 =	sadd.s32 s2, s17  }
0x8e: {  	[smem:$0x3FBC] =	sst s2  }
0x8f: {  	_ = 	snop  }
0x90: {  	s2 =	sld [smem:$0x3FC7]  }
0x91: {  	s18 =	sld [smem:$0x3FC6];
	(tm) =	ssettm $0x1  }
0x92: {  	s4 =	sld [smem:$0x3FFB];
	_ =	sdelay $0x3  }
0x93: {  	_ =	strace s4  }
0x94: {  	s4 =	sld [smem:$0x3FFC];
	_ =	sdelay $0x3  }
0x95: {  	_ =	strace s4  }
0x96: {  	s4 =	sld [smem:$0x3FFD];
	_ =	sdelay $0x3  }
0x97: {  	_ =	strace s4  }
0x98: {  	_ =	strace $0x8FFFFFFF  }
0x99: {  	s19 =	sld [smem:$0x3FDB];
	_ =	sdelay $0x1  }
0x9a: {  	s5 =	simm.s32 $_scs_section_size  }
0x9b: {  	s6 =	simm.s32 $_size__tile_overlayer_lowered;
	s7 =	simm.s32 $_tile_overlayer_lowered  }
0x9c: {  	s22 =	simm.s32 $0x1BFF;
	s21 =	sshll.u32 s7, $0x1;
	s4 =	sadd.s32 s5, s19  }
0x9d: {  	s8 =	simm.s32 $0x0;
	s20 =	sshll.u32 s6, $0x1;
	s6 =	sadd.s32 s21, s4  }
0x9e: {  	[timem:s8], [sflag:s22] =	dma.local [hbm:s6], s20  }
0x9f: {  	_ =	swait.ge [sflag:s22], s20  }
0xa0: {  	s5 =	ssub.s32 $0x0, s20;
	[sflag:s22] =	ssyncset.done $0x0  }
0xa1: {  	[sflag:s22] =	ssyncadd.s32 s5;
	_ =	sdelay $0x1  }
0xa2: {  	s23 =	simm.s32 $0x1B8B  }
0xa3: {  	_ =	swait.ge [sflag:s23], $0x1  }
0xa4: {  	[sflag:s23] =	ssyncset.done $0x0  }
0xa5: {  	s25 =	simm.s32 $0x1B8E;
	s24 =	sld [smem:$0x3FFE];
	[sflag:s23] =	ssyncadd.s32 $0xFFFFFFFF  }
0xa6: {  	s26 =	simm.s32 $execute0_lowered;
	[smem:$0x3FD2] =	sst s25  }
0xa7: {  	s6 =	sshll.u32 s26, $0x1;
	_ =	strace $0x80000046;
	[dreg:$0x1] =	wrdreg $0xFFFFFFFF  }
0xa8: {  	s28 =	simm.s32 $_size_execute0_lowered;
	s4 =	sadd.s32 s4, s6;
	[dreg:$0x0] =	wrdreg $0x0  }
0xa9: {  	s6 =	sshll.u32 s28, $0x1;
	[dreg:$0x2] =	wrdreg s4  }
0xaa: {  	[dreg:$0x3] =	wrdreg s6  }
0xab: {  	[dreg:$0x4] =	wrdreg $0xC0  }
0xac: {  	_ =	task [dreg:s8], $0x5FFFF  }
0xad: {  	[dreg:$0x1] =	wrdreg $0xFFFFFFFF  }
0xae: {  	[dreg:$0x0] =	wrdreg $0x60  }
0xaf: {  	[dreg:$0x2] =	wrdreg s2  }
0xb0: {  	[dreg:$0x3] =	wrdreg s18  }
0xb1: {  	[dreg:$0x4] =	wrdreg s24  }
0xb2: {  	[dreg:$0x5] =	wrdreg $0x59000  }
0xb3: {  	[dreg:$0x6] =	wrdreg $0x9  }
0xb4: {  	_ =	task.clear_ibuf [dreg:s8], $0x7FFFF;
	_ =	strace $0x90000046  }
0xb5: {  	s29 =	simm.s32 $0x9;
	_ =	strace $0x80000048  }
0xb6: {  	_ =	swait.ge [sflag:s29], $0x1  }
0xb7: {  	[sflag:s29] =	ssyncadd.s32 $0xFFFFFFFF  }
0xb8: {  	_ =	strace $0x90000048  }
0xb9: {  	_ =	sfence  }
0xba: {  	s30 =	sld [smem:$0x0];
	_ =	sdelay $0x2  }
0xbb: {  	s31 =	sshll.u32 s1, $0xD;
	s1 =	sshrl.u32 s1, $0x2  }
0xbc: {  	s3 =	sand.u32 $0x4000, s31;
	s1 =	sadd.s32 s1, s30  }
0xbd: {  	s0 =	sor.u32 s3, s0;
	s1 =	sshll.u32 s1, $0x11  }
0xbe: {  	s0 =	sor.u32 s1, s0  }
0xbf: {  	s0 =	sadd.s32 $0x8F2B, s0  }
0xc0: {  	[sflag:s0] =	ssyncadd.remote.s32 $0x1  }
0xc1: {  	_ =	sfence.sel $0xFFFF  }
0xc2: {  	[dreg:$0x0] =	wrdreg $0xFFFFFFFF;
	(pc) =	sbr.abs _section_cstart, $3  }
0xc3: {  	[dreg:$0x1] =	wrdreg $0xFFFFFFFF  }
0xc4: {  	_ =	task.clear_ibuf [dreg:s8], $0x2FFFF;
	_ =	strace $0x9FFFFFFF  }
0xc5: {  	(tm) =	ssettm $0x7FFFFFFF  }
tec
execute0_lowered:
.L_overlay_start_1:
0x0: {  	(tag) =	ssettag $0x1  }
0x1: {  	s1 =	rddreg [dreg:$0x0]  }
0x2: {  	s2 =	rddreg [dreg:$0x1]  }
0x3: {  	s8 =	rddreg [dreg:$0x2]  }
0x4: {  	s3 =	rddreg [dreg:$0x3]  }
0x5: {  	s0 =	rddreg [dreg:$0x4];
	s4 =	simm.s32 $0x0;
	s5 =	srdreg.scid  }
0x6: {  	s15 =	simm.s32 $0x50;
	s16 =	simm.s32 $0x100;
	s17 =	simm.s32 $0x1  }
0x7: {  	s18 =	simm.s32 $0x2;
	[smem:$0x7FF] =	sst s4;
	s9 =	sand.u32 $0x1, s5  }
0x8: {  	s6 =	sadd.s32 $0xA15000, s8;
	s5 =	stileid.u32;
	s7 =	sadd.s32 $0x9EDE00, s8  }
0x9: {  	_ =	strace $0x80000047;
	s10 =	smul.u32 $0x138800, s9;
	s12 =	ssub.s32 $0x2, s9  }
0xa: {  	s11 =	sshll.u32 s5, $0xB;
	s14 =	sshll.u32 s5, $0x1;
	s13 =	sshrl.u32 s12, $0x1  }
0xb: {  	s9 =	sor.u32 s9, s14;
	s14 =	simm.s32 $0x2900;
	s10 =	sadd.s32 s11, s10  }
0xc: {  	s12 =	ssub.s32 s12, s13;
	s13 =	simm.s32 $0x80;
	s10 =	sshrl.u32 s10, $0x3  }
0xd: {  	s31 =	sadd.s32 s10, s8;
	s8 =	smul.u32 $0x2710, s9;
	s9 =	smax.u32 s12, $0x1  }
0xe: {  	v0 =	vimm.f32 $0.0e+00;
	s10 =	sadd.s32 s11, s3;
	s12 =	simm.s32 $0x3;
	s11 =	sadd.s32 $0x2C00, s31  }
.LBB2_1:
0xf: {  	s19 =	simm.s32 $0x0;
	s20 =	simm.s32 $0x200  }
.LBB2_2:
0x10: {  	p0 =	sne.s32 s20, $0x1E00;
	[tilespmem:s19+$0x5170] =	vst v0  }
0x11: {  	[tilespmem:s19+$0x5100] =	vst v0  }
0x12: {  	[tilespmem:s19+$0x5110] =	vst v0  }
.Ltmp0:
0x13: {  	[tilespmem:s19+$0x5120] =	vst v0;
	(pc) =	sbr.rel @p0 .LBB2_2-.Ltmp0, $4  }
0x14: {  	[tilespmem:s19+$0x5130] =	vst v0  }
0x15: {  	[tilespmem:s19+$0x5140] =	vst v0  }
0x16: {  	[tilespmem:s19+$0x5150] =	vst v0  }
0x17: {  	[tilespmem:s19+$0x5160] =	vst v0;
	s19 =	sshra.s32 s20, $0x2;
	s20 =	sadd.s32 $0x200, s20  }
0x18: {  	[tilespmem:s19+$0x5170] =	vst v0  }
0x19: {  	[tilespmem:s19+$0x5100] =	vst v0  }
0x1a: {  	[tilespmem:s19+$0x5110] =	vst v0  }
0x1b: {  	[tilespmem:s19+$0x5120] =	vst v0  }
0x1c: {  	[tilespmem:s19+$0x5130] =	vst v0  }
0x1d: {  	[tilespmem:s19+$0x5140] =	vst v0;
	s20 =	sadd.s32 $0x0, s5  }
0x1e: {  	[tilespmem:s19+$0x5150] =	vst v0;
	p0 =	sgt.u32 s20, $0x270  }
0x1f: {  	[tilespmem:s19+$0x5160] =	vst v0;
	s19 =	simm.s32 @!p0 $0x5100;
	s22 =	simm.s32 @!p0 $0x3  }
0x20: {  	[spmem:s10] =	stream.linear.scatter @!p0 [tilespmem:s19], [sflag:$0x3], $0x800, $0x38;
	[tilespmem:$0x19180] =	vst v63  }
0x21: {  	s21 =	simm.s32 $0x20;
	_ =	swait.ge @!p0 [sflag:s22], $0x800  }
0x22: {  	s20 =	simm.s32 $0x10;
	s19 =	sadd.s32 $0x8000, s10;
	[sflag:s22] =	ssyncset.done @!p0 $0x0  }
.LBB2_4:
0x23: {  	s23 =	sadd.s32 s20, s5;
	s20 =	smov.u32 s21;
	s21 =	sadd.s32 $0x10, s21  }
0x24: {  	[sflag:s22] =	ssyncadd.s32 @!p0 $0xFFFFF800;
	p1 =	sne.s32 s21, $0x280  }
.Ltmp1:
0x25: {  	p0 =	sgt.u32 s23, $0x270;
	(pc) =	sbr.rel @p1 .LBB2_4-.Ltmp1, $4  }
0x26: {  	s23 =	simm.s32 @!p0 $0x5100;
	s22 =	simm.s32 @!p0 $0x3  }
0x27: {  	[spmem:s19] =	stream.linear.scatter @!p0 [tilespmem:s23], [sflag:$0x3], $0x800, $0x38;
	[tilespmem:$0x19180] =	vst v63  }
0x28: {  	_ =	swait.ge @!p0 [sflag:s22], $0x800  }
0x29: {  	s19 =	sadd.s32 $0x8000, s19;
	[sflag:s22] =	ssyncset.done @!p0 $0x0  }
0x2a: {  	s20 =	sadd.s32 s20, s5  }
0x2b: {  	p1 =	sgt.u32 s20, $0x270  }
0x2c: {  	[sflag:s22] =	ssyncadd.s32 @!p0 $0xFFFFF800;
	s20 =	simm.s32 @!p1 $0x5100;
	s21 =	simm.s32 @!p1 $0x3  }
0x2d: {  	[spmem:s19] =	stream.linear.scatter @!p1 [tilespmem:s20], [sflag:$0x3], $0x800, $0x38;
	[tilespmem:$0x19180] =	vst v63  }
0x2e: {  	_ =	swait.ge @!p1 [sflag:s21], $0x800  }
0x2f: {  	[sflag:s21] =	ssyncset.done @!p1 $0x0  }
0x30: {  	[sflag:s21] =	ssyncadd.s32 @!p1 $0xFFFFF800  }
0x31: {  	s19 =	simm.s32 $0x0;
	s20 =	simm.s32 $0x0;
	[bflag:$0x0] =	sbarrier.arrive $0xFFFF  }
.LBB2_6:
0x32: {  	s21 =	smul.u32 $0x50, s20;
	_ =	sdelay $0x1  }
0x33: {  	s21 =	sadd.s32 s8, s21  }
0x34: {  	s22 =	sshrl.u32 s21, $0x3  }
0x35: {  	s23 =	sadd.s32 s1, s22  }
0x36: {  	[tilespmem:s19], [sflag:$0x3] =	stream.linear.gather [hbm4b:s23+s19], $0x50, $0x38;
	[tilespmem:$0x19180] =	vst v63  }
0x37: {  	_ =	swait.ge [sflag:s12], $0x50  }
0x38: {  	[sflag:s12] =	ssyncset.done $0x0  }
0x39: {  	s22 =	sadd.s32 s2, s22;
	[sflag:s12] =	ssyncadd.s32 $0xFFFFFFB0  }
0x3a: {  	[tilespmem:s13], [sflag:$0x3] =	stream.linear.gather [hbm4b:s22+s19], $0x50, $0x38;
	[tilespmem:$0x19180] =	vst v63  }
0x3b: {  	_ =	swait.ge [sflag:s12], $0x50  }
0x3c: {  	s21 =	sshll.u32 s21, $0x4;
	[sflag:s12] =	ssyncset.done $0x0  }
0x3d: {  	s21 =	sadd.s32 s6, s21;
	[sflag:s12] =	ssyncadd.s32 $0xFFFFFFB0  }
0x3e: {  	[tilespmem:s14], [sflag:$0x2] =	stream.linear.gather [hbm4b:s21+s19], $0x2800, $0x38;
	[tilespmem:$0x19180] =	vst v63  }
0x3f: {  	_ = 	snop  }
0x40: {  	[tilespmem:s16], [sflag:$0x1] =	stream.indirect.gather [hbm4b:s7+s15], $0x80, s19, s15, $0xb8;
	[tilespmem:$0x19180] =	vst v63  }
0x41: {  	_ =	swait.ge [sflag:s17], $0x2800  }
0x42: {  	[sflag:s17] =	ssyncset.done $0x0  }
0x43: {  	[sflag:s17] =	ssyncadd.s32 $0xFFFFD800  }
0x44: {  	_ =	swait.ge [sflag:s18], $0x2800  }
0x45: {  	[sflag:s18] =	ssyncset.done $0x0  }
0x46: {  	s21 =	simm.s32 $0x0;
	[sflag:s18] =	ssyncadd.s32 $0xFFFFD800  }
0x47: {  	v8 =	vld [tilespmem:s21+$0x2900]  }
0x48: {  	v12 =	vld [tilespmem:s21+$0x2910]  }
0x49: {  	v6 =	vld [tilespmem:s21+$0x2920]  }
0x4a: {  	v5 =	vld [tilespmem:s21+$0x2930]  }
0x4b: {  	v4 =	vld [tilespmem:s21+$0x2940]  }
0x4c: {  	v3 =	vld [tilespmem:s21+$0x2950]  }
0x4d: {  	v2 =	vld [tilespmem:s21+$0x2960]  }
0x4e: {  	v1 =	vld [tilespmem:s21+$0x2970]  }
0x4f: {  	v13 =	vld [tilespmem:s21+$0x100]  }
0x50: {  	v14 =	vld [tilespmem:s21+$0x110]  }
0x51: {  	v11 =	vld [tilespmem:s21+$0x120]  }
0x52: {  	v10 =	vld [tilespmem:s21+$0x130]  }
0x53: {  	v9 =	vld [tilespmem:s21+$0x140]  }
0x54: {  	v7 =	vld [tilespmem:s21+$0x150];
	v13 =	vmul.f32 v8, v13  }
0x55: {  	s22 =	simm.s32 $0x200;
	v12 =	vmul.f32 v12, v14;
	v8 =	vld [tilespmem:s21+$0x160]  }
.LBB2_7:
0x56: {  	s23 =	sshra.s32 s22, $0x2;
	p0 =	sne.s32 s22, $0x9E00;
	[tilespmem:s21+$0x100] =	vst v13;
	v6 =	vmul.f32 v6, v11;
	v11 =	vld [tilespmem:s21+$0x170]  }
0x57: {  	v13 =	vld [tilespmem:s23+$0x2900];
	[tilespmem:s21+$0x110] =	vst v12;
	v5 =	vmul.f32 v5, v10  }
0x58: {  	v12 =	vld [tilespmem:s23+$0x2910];
	[tilespmem:s21+$0x120] =	vst v6;
	v4 =	vmul.f32 v4, v9  }
0x59: {  	v6 =	vld [tilespmem:s23+$0x2920];
	[tilespmem:s21+$0x130] =	vst v5;
	v3 =	vmul.f32 v3, v7  }
0x5a: {  	v5 =	vld [tilespmem:s23+$0x2930];
	[tilespmem:s21+$0x140] =	vst v4;
	v2 =	vmul.f32 v2, v8  }
0x5b: {  	v4 =	vld [tilespmem:s23+$0x2940];
	[tilespmem:s21+$0x150] =	vst v3;
	v1 =	vmul.f32 v1, v11  }
0x5c: {  	v3 =	vld [tilespmem:s23+$0x2950];
	[tilespmem:s21+$0x160] =	vst v2  }
0x5d: {  	v2 =	vld [tilespmem:s23+$0x2960];
	[tilespmem:s21+$0x170] =	vst v1;
	s21 =	smov.u32 s23  }
0x5e: {  	v1 =	vld [tilespmem:s21+$0x2970]  }
0x5f: {  	v7 =	vld [tilespmem:s21+$0x100]  }
0x60: {  	v8 =	vld [tilespmem:s21+$0x110]  }
.Ltmp2:
0x61: {  	v11 =	vld [tilespmem:s21+$0x120];
	(pc) =	sbr.rel @p0 .LBB2_7-.Ltmp2, $4  }
0x62: {  	v10 =	vld [tilespmem:s21+$0x130]  }
0x63: {  	v9 =	vld [tilespmem:s21+$0x140]  }
0x64: {  	v13 =	vmul.f32 v13, v7;
	v7 =	vld [tilespmem:s21+$0x150]  }
0x65: {  	s22 =	sadd.s32 $0x200, s22;
	v12 =	vmul.f32 v12, v8;
	v8 =	vld [tilespmem:s21+$0x160]  }
0x66: {  	[tilespmem:s21+$0x100] =	vst v13;
	v6 =	vmul.f32 v6, v11;
	v63 =	vld [tilespmem:s21+$0x170]  }
0x67: {  	[tilespmem:s21+$0x110] =	vst v12;
	v5 =	vmul.f32 v5, v10  }
0x68: {  	[tilespmem:s21+$0x120] =	vst v6;
	v4 =	vmul.f32 v4, v9  }
0x69: {  	[tilespmem:s21+$0x130] =	vst v5;
	v3 =	vmul.f32 v3, v7  }
0x6a: {  	[tilespmem:s21+$0x140] =	vst v4;
	v2 =	vmul.f32 v2, v8  }
0x6b: {  	s20 =	sadd.s32 $0x1, s20;
	[tilespmem:s21+$0x150] =	vst v3;
	v1 =	vmul.f32 v1, v63  }
0x6c: {  	p0 =	sne.s32 s20, $0x7D;
	[tilespmem:s21+$0x160] =	vst v2  }
.Ltmp3:
0x6d: {  	[tilespmem:s21+$0x170] =	vst v1;
	(pc) =	sbr.rel @p0 .LBB2_6-.Ltmp3, $4  }
0x6e: {  	[spmem:s3] =	stream.indirect.scatter.add.f32 [tilespmem:s16], [sflag:$0x3], $0x80, s13, s15, $0xb8;
	[tilespmem:$0x19180] =	vst v63  }
0x6f: {  	_ =	swait.ge [sflag:s12], $0x2800  }
0x70: {  	[sflag:s12] =	ssyncset.done $0x0  }
0x71: {  	[sflag:s12] =	ssyncadd.s32 $0xFFFFD800  }
0x72: {  	s19 =	sadd.s32 $0x0, s5  }
0x73: {  	p0 =	sgt.u32 s19, $0x270  }
0x74: {  	[bflag:$0x0] =	sbarrier.arrive $0xFFFF;
	s19 =	sshll.u32 @!p0 s5, $0x6  }
0x75: {  	s20 =	sshrl.u32 @!p0 s10, $0x3;
	s22 =	simm.s32 @!p0 $0x3;
	s19 =	sor.u32 @!p0 $0x1C03, s19  }
0x76: {  	[hbm:s11], [sflag:s19] =	dma.local @!p0 [spmem:s20], $0x100  }
0x77: {  	s21 =	simm.s32 $0x20;
	s23 =	sadd.s32 $0x10, s5;
	_ =	swait.ge @!p0 [sflag:s22], $0x100  }
0x78: {  	s19 =	sadd.s32 $0x8000, s10;
	s20 =	sadd.s32 $0x1000, s11;
	[sflag:s22] =	ssyncset.done @!p0 $0x0  }
.LBB2_10:
0x79: {  	[sflag:s22] =	ssyncadd.s32 @!p0 $0xFFFFFF00  }
0x7a: {  	p0 =	sgt.u32 s23, $0x270;
	s23 =	smov.u32 s21;
	s21 =	sadd.s32 $0x10, s21  }
0x7b: {  	p1 =	sne.s32 s21, $0x280  }
.Ltmp4:
0x7c: {  	s22 =	sshll.u32 @!p0 s5, $0x6;
	s24 =	sshrl.u32 @!p0 s19, $0x3;
	(pc) =	sbr.rel @p1 .LBB2_10-.Ltmp4, $4  }
0x7d: {  	s25 =	sor.u32 @!p0 $0x1C03, s22;
	s22 =	simm.s32 @!p0 $0x3  }
0x7e: {  	[hbm:s20], [sflag:s25] =	dma.local @!p0 [spmem:s24], $0x100  }
0x7f: {  	s19 =	sadd.s32 $0x8000, s19;
	_ =	swait.ge @!p0 [sflag:s22], $0x100  }
0x80: {  	s23 =	sadd.s32 s23, s5;
	s20 =	sadd.s32 $0x1000, s20;
	[sflag:s22] =	ssyncset.done @!p0 $0x0  }
0x81: {  	p1 =	sgt.u32 s23, $0x270;
	[sflag:s22] =	ssyncadd.s32 @!p0 $0xFFFFFF00;
	s4 =	sadd.s32 $0x1, s4  }
0x82: {  	s21 =	sshll.u32 @!p1 s5, $0x6;
	s19 =	sshrl.u32 @!p1 s19, $0x3;
	p0 =	sne.s32 s4, s9  }
.Ltmp5:
0x83: {  	s22 =	simm.s32 @!p1 $0x3;
	s21 =	sor.u32 @!p1 $0x1C03, s21;
	(pc) =	sbr.rel @p0 .LBB2_1-.Ltmp5, $4  }
0x84: {  	[hbm:s20], [sflag:s21] =	dma.local @!p1 [spmem:s19], $0x100  }
0x85: {  	_ =	swait.ge @!p1 [sflag:s22], $0x100  }
0x86: {  	[sflag:s22] =	ssyncset.done @!p1 $0x0  }
0x87: {  	[sflag:s22] =	ssyncadd.s32 @!p1 $0xFFFFFF00  }
0x88: {  	_ =	sfence.sel $0x180000  }
0x89: {  	[bflag:$0x0] =	sbarrier.arrive $0xFFFF  }
0x8a: {  	p0 =	sne.s32 s5, $0x0;
	_ =	strace $0x90000047  }
0x8b: {  	s0 =	sadd.s32 @!p0 $0x100000, s0;
	[bflag:$0x2] =	sbarrier.arrive $0xFFFF  }
0x8c: {  	[sflag:s0] =	ssyncadd.tile.s32 @!p0 $0x1;
	_ =	shalt  }
.Lfunc_end2:
_tile_overlayer_lowered:
.L_overlay_start_2:
0x8d: {  	(tag) =	ssettag $0x2  }
0x8e: {  	s0 =	rddreg [dreg:$0x0];
	s2 =	stileid.u32  }
0x8f: {  	s1 =	rddreg [dreg:$0x1];
	p0 =	sne.s32 s2, $0x0  }
0x90: {  	s3 =	rddreg [dreg:$0x2];
	[bflag:$0x3] =	sbarrier.arrive $0xFFFF;
	s2 =	simm.s32 @!p0 $0x1C03  }
0x91: {  	[timem:s3], [sflag:s2] =	dma.local @!p0 [hbm:s0], s1  }
0x92: {  	s0 =	simm.s32 @!p0 $0x3  }
0x93: {  	_ =	swait.ge @!p0 [sflag:s0], s1  }
0x94: {  	s1 =	ssub.s32 @!p0 $0x0, s1;
	[sflag:s0] =	ssyncset.done @!p0 $0x0  }
0x95: {  	[sflag:s0] =	ssyncadd.s32 @!p0 s1  }
0x96: {  	[bflag:$0x3] =	sbarrier.arrive $0xFFFF  }
0x97: {  	_ =	shalt  }

</sc_bundles>
